<compile_context>
chip_gen: v7x
topology: tpu7x:2x2x1
jax: 0.10.2.dev20260603
libtpu: 0.0.44.dev20260713+nightly
codegen_flags: <defaults>
</compile_context>

<pallas_src>
import functools

import jax
import jax.numpy as jnp
from jax import lax
from jax.experimental import pallas as pl
from jax.experimental.pallas import tpu as pltpu
from jax.experimental.pallas import tpu_sc as plsc

B = 4
T = 8192
D = 2048
NUM_EXPERTS = 64
TOP_K = 8

TC_T = 5120
SC_T = T - TC_T
SUB_PER_B = 8
ROWS_PER_SUB = SC_T // SUB_PER_B
CH = 16
N_CHUNKS = ROWS_PER_SUB // CH
T_BLK = 128


def _tree_sum(vals):
    while len(vals) > 1:
        nxt = [vals[2 * i] + vals[2 * i + 1] for i in range(len(vals) // 2)]
        if len(vals) % 2:
            nxt.append(vals[-1])
        vals = nxt
    return vals[0]


def _sc_reduce_body(x_hbm, out_hbm, buf, acc, sem):
    c = lax.axis_index("c")
    s = lax.axis_index("s")
    wid = s * 2 + c
    batch = wid // SUB_PER_B
    sub = wid % SUB_PER_B
    row0 = batch * T + TC_T + sub * ROWS_PER_SUB

    def dma(chunk_idx, slot):
        return pltpu.make_async_copy(
            x_hbm.at[pl.ds(row0 + chunk_idx * CH, CH), :],
            buf.at[slot],
            sem.at[slot],
        )

    dma(0, 0).start()

    def zbody(j, carry):
        acc[pl.ds(j * 16, 16)] = jnp.zeros((16,), jnp.float32)
        return carry

    lax.fori_loop(0, D // 16, zbody, 0)

    def chunk_pair(g, carry):
        for b_ in range(2):
            t_ = g * 2 + b_

            @pl.when(t_ + 1 < N_CHUNKS)
            def _start_next():
                dma(t_ + 1, (b_ + 1) % 2).start()

            dma(t_, b_).wait()

            def jbody(j, jcarry):
                base = j * 16
                vals = [buf[b_, i, pl.ds(base, 16)] for i in range(CH)]
                acc[pl.ds(base, 16)] += _tree_sum(vals)
                return jcarry

            lax.fori_loop(0, D // 16, jbody, 0)
        return carry

    lax.fori_loop(0, N_CHUNKS // 2, chunk_pair, 0)
    pltpu.sync_copy(acc, out_hbm.at[batch, sub])


def _sc_reduce(x_flat):
    mesh = plsc.VectorSubcoreMesh(core_axis_name="c", subcore_axis_name="s")
    return pl.kernel(
        _sc_reduce_body,
        mesh=mesh,
        out_type=jax.ShapeDtypeStruct((B, SUB_PER_B, D), jnp.float32),
        scratch_types=[
            pltpu.VMEM((2, CH, D), jnp.float32),
            pltpu.VMEM((D,), jnp.float32),
            pltpu.SemaphoreType.DMA((2,)),
        ],
    )(x_flat)


def _tc_head_kernel(x_ref, out_ref, acc_ref, *, n_blocks):
    t = pl.program_id(0)

    @pl.when(t == 0)
    def _init():
        acc_ref[...] = jnp.zeros_like(acc_ref)

    acc_ref[...] += jnp.sum(x_ref[...], axis=1)

    @pl.when(t == n_blocks - 1)
    def _fin():
        out_ref[...] = acc_ref[...]


def _combine_kernel(tc_ref, sc_ref, w_ref, b_ref, sw_ref, idx_ref):
    pooled = (tc_ref[...] + jnp.sum(sc_ref[...], axis=1)) * (1.0 / T)
    logits = jax.lax.dot_general(
        pooled.astype(jnp.bfloat16), w_ref[...].astype(jnp.bfloat16),
        (((1,), (1,)), ((), ())),
        preferred_element_type=jnp.float32,
    ) + b_ref[...]

    e_iota = jax.lax.broadcasted_iota(jnp.int32, logits.shape, 1)
    vals = logits
    top_vals = []
    top_idx = []
    for _ in range(TOP_K):
        m = jnp.max(vals, axis=1, keepdims=True)
        i = jnp.min(jnp.where(vals == m, e_iota, NUM_EXPERTS),
                    axis=1, keepdims=True)
        top_vals.append(m)
        top_idx.append(i)
        vals = jnp.where(e_iota == i, -jnp.inf, vals)

    tv = jnp.concatenate(top_vals, axis=1)
    ex = jnp.exp(tv - tv[:, :1])
    probs = ex / jnp.sum(ex, axis=1, keepdims=True)

    sparse = jnp.zeros_like(logits)
    for k in range(TOP_K):
        sparse += jnp.where(e_iota == top_idx[k], probs[:, k:k + 1], 0.0)

    sw_ref[...] = sparse
    idx_ref[...] = jnp.concatenate(top_idx, axis=1)


@jax.jit
def kernel(x, W, b):
    x_flat = x.reshape(B * T, D)
    sc_part = _sc_reduce(x_flat)

    n_blocks = TC_T // T_BLK
    tc_part = pl.pallas_call(
        functools.partial(_tc_head_kernel, n_blocks=n_blocks),
        grid=(n_blocks,),
        in_specs=[pl.BlockSpec((B, T_BLK, D), lambda t: (0, t, 0))],
        out_specs=pl.BlockSpec((B, D), lambda t: (0, 0)),
        out_shape=jax.ShapeDtypeStruct((B, D), jnp.float32),
        scratch_shapes=[pltpu.VMEM((B, D), jnp.float32)],
    )(x)

    sw, idx = pl.pallas_call(
        _combine_kernel,
        in_specs=[
            pl.BlockSpec((B, D), lambda: (0, 0)),
            pl.BlockSpec((B, SUB_PER_B, D), lambda: (0, 0, 0)),
            pl.BlockSpec((NUM_EXPERTS, D), lambda: (0, 0)),
            pl.BlockSpec((1, NUM_EXPERTS), lambda: (0, 0)),
        ],
        out_specs=[
            pl.BlockSpec((B, NUM_EXPERTS), lambda: (0, 0)),
            pl.BlockSpec((B, TOP_K), lambda: (0, 0)),
        ],
        out_shape=[
            jax.ShapeDtypeStruct((B, NUM_EXPERTS), jnp.float32),
            jax.ShapeDtypeStruct((B, TOP_K), jnp.int32),
        ],
    )(tc_part, sc_part, W, b.reshape(1, NUM_EXPERTS))
    return (sw, idx)

# --- scband reference (transcript-rebuilt; emitter-appended) ---
"""Pipeline reference for scband-expert-gating-81209241632907 (READ-ONLY COPY).

The authoritative reference and input builder live on the scoring server;
editing this copy changes nothing except your own understanding.
"""

import jax, jax.numpy as jnp
import numpy as np

NUM_EXPERTS = 64
TOP_K = 8
D_MODEL = 2048

def setup_inputs(seed: int = 0) -> dict:
    key = jax.random.key(seed)
    k1, k2 = jax.random.split(key, 2)
    x = jax.random.normal(k1, (4, 8192, D_MODEL), dtype=jnp.float32)
    # xavier_normal_ init for gate weight [num_experts, input_dim]
    std = (2.0 / (D_MODEL + NUM_EXPERTS)) ** 0.5
    W = jax.random.normal(k2, (NUM_EXPERTS, D_MODEL), dtype=jnp.float32) * std
    b = jnp.full((NUM_EXPERTS,), 0.1, dtype=jnp.float32)
    return {"x": x, "W": W, "b": b}

def reference(x, W, b):
    # pooled = x.mean(dim=[-2])  -> [B, T]
    pooled = jnp.mean(x, axis=-2)
    # logits = gate_generator(pooled) -> [B, num_experts]
    logits = pooled @ W.T + b
    # top-k over experts
    top_logits, indices = jax.lax.top_k(logits, TOP_K)
    probs = jax.nn.softmax(top_logits, axis=-1)
    # scatter softmaxed top-k probs back into a sparse [B, num_experts] tensor
    B = logits.shape[0]
    row_idx = jnp.arange(B)[:, None]
    sparse_weights = jnp.zeros_like(logits).at[row_idx, indices].set(probs)
    return (sparse_weights, indices)

if __name__ == "__main__":
    import jax
    _d = setup_inputs()
    print(jax.jit(kernel)(*tuple(_d.values())))

</pallas_src>

<mosaic_0001>
#map = affine_map<(d0, d1) -> (0, 0)>
#map1 = affine_map<(d0, d1) -> (0, 0, 0)>
module attributes {stable_mosaic.version = 14 : i64} {
  func.func @_sc_reduce_body(%arg0: i32, %arg1: i32, %arg2: memref<32768x2048xf32, #tpu.memory_space<hbm>>, %arg3: memref<4x8x2048xf32, #tpu.memory_space<hbm>>, %arg4: memref<2x16x2048xf32, #tpu.memory_space<vmem>>, %arg5: memref<2048xf32, #tpu.memory_space<vmem>>, %arg6: memref<2x!tpu.dma_semaphore, #tpu.memory_space<semaphore_mem>>) attributes {dimension_semantics = [#tpu.dimension_semantics<core_parallel>, #tpu.dimension_semantics<subcore_parallel>], iteration_bounds = array<i64: 2, 16>, scalar_prefetch = 0 : i64, scratch_operands = 3 : i64, tpu.core_type = #tpu.core_type<sc_vector_subcore>, window_params = [{transform_indices = #map}, {transform_indices = #map1}]} {
    %mul3A = arith.constant 2 : i32
    %mul3A_0 = arith.muli %arg1, %mul3A : i32
    %add3A = arith.addi %mul3A_0, %arg0 : i32
    %jit3A = arith.constant 8 : i32
    %div3A = arith.divsi %add3A, %jit3A : i32
    %sign3A = arith.constant 0 : i32
    %sign3A_1 = arith.cmpi sgt, %add3A, %sign3A : i32
    %sign3A_2 = arith.extui %sign3A_1 : i1 to i32
    %sign3A_3 = arith.constant 0 : i32
    %sign3A_4 = arith.cmpi slt, %add3A, %sign3A_3 : i32
    %sign3A_5 = arith.extui %sign3A_4 : i1 to i32
    %sign3A_6 = arith.subi %sign3A_2, %sign3A_5 : i32
    %sign3A_7 = arith.constant 0 : i32
    %sign3A_8 = arith.cmpi sgt, %jit3A, %sign3A_7 : i32
    %sign3A_9 = arith.extui %sign3A_8 : i1 to i32
    %sign3A_10 = arith.constant 0 : i32
    %sign3A_11 = arith.cmpi slt, %jit3A, %sign3A_10 : i32
    %sign3A_12 = arith.extui %sign3A_11 : i1 to i32
    %sign3A_13 = arith.subi %sign3A_9, %sign3A_12 : i32
    %ne3A = arith.cmpi ne, %sign3A_6, %sign3A_13 : i32
    %rem3A = arith.remsi %add3A, %jit3A : i32
    %ne3A_14 = arith.constant 0 : i32
    %ne3A_15 = arith.cmpi ne, %rem3A, %ne3A_14 : i32
    %and3A = arith.andi %ne3A, %ne3A_15 : i1
    %sub3A = arith.constant 1 : i32
    %sub3A_16 = arith.subi %div3A, %sub3A : i32
    %select_n3A = arith.select %and3A, %sub3A_16, %div3A : i32
    %jit3A_17 = arith.constant 8 : i32
    %eq3A = arith.constant 0 : i32
    %eq3A_18 = arith.cmpi eq, %jit3A_17, %eq3A : i32
    %jit3A_19 = arith.constant 1 : i32
    %select_n3A_20 = arith.select %eq3A_18, %jit3A_19, %jit3A_17 : i32
    %rem3A_21 = arith.remsi %add3A, %select_n3A_20 : i32
    %ne3A_22 = arith.constant 0 : i32
    %ne3A_23 = arith.cmpi ne, %rem3A_21, %ne3A_22 : i32
    %lt3A = arith.constant 0 : i32
    %lt3A_24 = arith.cmpi slt, %rem3A_21, %lt3A : i32
    %lt3A_25 = arith.constant 0 : i32
    %lt3A_26 = arith.cmpi slt, %select_n3A_20, %lt3A_25 : i32
    %ne3A_27 = arith.xori %lt3A_24, %lt3A_26 : i1
    %and3A_28 = arith.andi %ne3A_27, %ne3A_23 : i1
    %add3A_29 = arith.addi %rem3A_21, %select_n3A_20 : i32
    %select_n3A_30 = arith.select %and3A_28, %add3A_29, %rem3A_21 : i32
    %mul3A_31 = arith.constant 8192 : i32
    %mul3A_32 = arith.muli %select_n3A, %mul3A_31 : i32
    %add3A_33 = arith.constant 5120 : i32
    %add3A_34 = arith.addi %mul3A_32, %add3A_33 : i32
    %mul3A_35 = arith.constant 384 : i32
    %mul3A_36 = arith.muli %select_n3A_30, %mul3A_35 : i32
    %add3A_37 = arith.addi %add3A_34, %mul3A_36 : i32
    %add3A_38 = arith.constant 0 : i32
    %add3A_39 = arith.addi %add3A_37, %add3A_38 : i32
    %dma_start3A = arith.constant 0 : i32
    %dma_start3A_40 = arith.constant 0 : i32
    %dma_start3A_41 = arith.constant 0 : i32
    %dma_start3A_42 = arith.constant 0 : i32
    %dma_start3A_43 = tpu.memref_slice %arg4[%dma_start3A, %dma_start3A_41, %dma_start3A_42] : memref<2x16x2048xf32, #tpu.memory_space<vmem>> -> memref<1x16x2048xf32, #tpu.memory_space<vmem>>
    %dma_start3A_44 = tpu.memref_squeeze %dma_start3A_43 : memref<1x16x2048xf32, #tpu.memory_space<vmem>> -> memref<16x2048xf32, #tpu.memory_space<vmem>>
    %dma_start3A_45 = arith.constant 0 : i32
    %dma_start3A_46 = tpu.memref_slice %arg2[%add3A_39, %dma_start3A_45] : memref<32768x2048xf32, #tpu.memory_space<hbm>> -> memref<16x2048xf32, #tpu.memory_space<hbm>>
    %dma_start3A_47 = tpu.memref_slice %arg6[%dma_start3A_40] : memref<2x!tpu.dma_semaphore, #tpu.memory_space<semaphore_mem>> -> memref<1x!tpu.dma_semaphore, #tpu.memory_space<semaphore_mem>>
    %dma_start3A_48 = tpu.memref_squeeze %dma_start3A_47 : memref<1x!tpu.dma_semaphore, #tpu.memory_space<semaphore_mem>> -> memref<!tpu.dma_semaphore, #tpu.memory_space<semaphore_mem>>
    %dma_start3A_49 = arith.constant 0 : i32
    %dma_start3A_50 = arith.constant 0 : i32
    %dma_start3A_51 = tpu.memref_slice %arg4[%dma_start3A, %dma_start3A_49, %dma_start3A_50] : memref<2x16x2048xf32, #tpu.memory_space<vmem>> -> memref<1x16x2048xf32, #tpu.memory_space<vmem>>
    %dma_start3A_52 = tpu.memref_squeeze %dma_start3A_51 : memref<1x16x2048xf32, #tpu.memory_space<vmem>> -> memref<16x2048xf32, #tpu.memory_space<vmem>>
    %dma_start3A_53 = arith.constant 0 : i32
    %dma_start3A_54 = tpu.memref_slice %arg2[%add3A_39, %dma_start3A_53] : memref<32768x2048xf32, #tpu.memory_space<hbm>> -> memref<16x2048xf32, #tpu.memory_space<hbm>>
    tpu.enqueue_dma source(%dma_start3A_54 : memref<16x2048xf32, #tpu.memory_space<hbm>>) target(%dma_start3A_52 : memref<16x2048xf32, #tpu.memory_space<vmem>>) target_semaphore(%dma_start3A_48 : memref<!tpu.dma_semaphore, #tpu.memory_space<semaphore_mem>>)
    %scan3A = arith.constant 0 : i32
    %scan3A_55 = arith.constant 0 : i32
    %scan3A_56 = arith.constant 128 : i32
    %scan3A_57 = arith.addi %scan3A_55, %scan3A_56 : i32
    %scan3A_58 = arith.constant 1 : i32
    scf.for %scan3A_66 = %scan3A_55 to %scan3A_57 step %scan3A_58  : i32 {
      %broadcast_in_dim3A = arith.constant 0.000000e+00 : f32
      %broadcast_in_dim3A_67 = vector.broadcast %broadcast_in_dim3A : f32 to vector<16xf32>
      %mul3A_68 = arith.constant 16 : i32
      %mul3A_69 = arith.muli %scan3A_66, %mul3A_68 : i32
      %swap3A = arith.index_cast %mul3A_69 : i32 to index
      %swap3A_70 = tpu.vector_load %arg5[%swap3A] {strides = array<i32>} : memref<2048xf32, #tpu.memory_space<vmem>>, vector<16xf32>,
      %swap3A_71 = vector.shape_cast %swap3A_70 : vector<16xf32> to vector<16xf32>
      %swap3A_72 = vector.shape_cast %broadcast_in_dim3A_67 : vector<16xf32> to vector<16xf32>
      tpu.vector_store %arg5[%swap3A], %swap3A_72 {strides = array<i32>} : memref<2048xf32, #tpu.memory_space<vmem>>, vector<16xf32>,
    }
    %scan3A_59 = arith.constant 128 : i32
    %scan3A_60 = arith.constant 0 : i32
    %scan3A_61 = arith.constant 0 : i32
    %scan3A_62 = arith.constant 12 : i32
    %scan3A_63 = arith.addi %scan3A_61, %scan3A_62 : i32
    %scan3A_64 = arith.constant 1 : i32
    scf.for %scan3A_66 = %scan3A_61 to %scan3A_63 step %scan3A_64  : i32 {
      %mul3A_67 = arith.constant 2 : i32
      %mul3A_68 = arith.muli %scan3A_66, %mul3A_67 : i32
      %add3A_69 = arith.constant 0 : i32
      %add3A_70 = arith.addi %mul3A_68, %add3A_69 : i32
      %add3A_71 = arith.constant 1 : i32
      %add3A_72 = arith.addi %add3A_70, %add3A_71 : i32
      %lt3A_73 = arith.constant 24 : i32
      %lt3A_74 = arith.cmpi slt, %add3A_72, %lt3A_73 : i32
      %convert_element_type3A = arith.extui %lt3A_74 : i1 to i32
      %cond3A = arith.constant 0 : i32
      %cond3A_75 = arith.cmpi ne, %convert_element_type3A, %cond3A : i32
      scf.if %cond3A_75 {
        %add3A_136 = arith.constant 1 : i32
        %add3A_137 = arith.addi %add3A_70, %add3A_136 : i32
        %mul3A_138 = arith.constant 16 : i32
        %mul3A_139 = arith.muli %add3A_137, %mul3A_138 : i32
        %add3A_140 = arith.addi %add3A_37, %mul3A_139 : i32
        %dma_start3A_141 = arith.constant 1 : i32
        %dma_start3A_142 = arith.constant 1 : i32
        %dma_start3A_143 = arith.constant 0 : i32
        %dma_start3A_144 = arith.constant 0 : i32
        %dma_start3A_145 = tpu.memref_slice %arg4[%dma_start3A_141, %dma_start3A_143, %dma_start3A_144] : memref<2x16x2048xf32, #tpu.memory_space<vmem>> -> memref<1x16x2048xf32, #tpu.memory_space<vmem>>
        %dma_start3A_146 = tpu.memref_squeeze %dma_start3A_145 : memref<1x16x2048xf32, #tpu.memory_space<vmem>> -> memref<16x2048xf32, #tpu.memory_space<vmem>>
        %dma_start3A_147 = arith.constant 0 : i32
        %dma_start3A_148 = tpu.memref_slice %arg2[%add3A_140, %dma_start3A_147] : memref<32768x2048xf32, #tpu.memory_space<hbm>> -> memref<16x2048xf32, #tpu.memory_space<hbm>>
        %dma_start3A_149 = tpu.memref_slice %arg6[%dma_start3A_142] : memref<2x!tpu.dma_semaphore, #tpu.memory_space<semaphore_mem>> -> memref<1x!tpu.dma_semaphore, #tpu.memory_space<semaphore_mem>>
        %dma_start3A_150 = tpu.memref_squeeze %dma_start3A_149 : memref<1x!tpu.dma_semaphore, #tpu.memory_space<semaphore_mem>> -> memref<!tpu.dma_semaphore, #tpu.memory_space<semaphore_mem>>
        %dma_start3A_151 = arith.constant 0 : i32
        %dma_start3A_152 = arith.constant 0 : i32
        %dma_start3A_153 = tpu.memref_slice %arg4[%dma_start3A_141, %dma_start3A_151, %dma_start3A_152] : memref<2x16x2048xf32, #tpu.memory_space<vmem>> -> memref<1x16x2048xf32, #tpu.memory_space<vmem>>
        %dma_start3A_154 = tpu.memref_squeeze %dma_start3A_153 : memref<1x16x2048xf32, #tpu.memory_space<vmem>> -> memref<16x2048xf32, #tpu.memory_space<vmem>>
        %dma_start3A_155 = arith.constant 0 : i32
        %dma_start3A_156 = tpu.memref_slice %arg2[%add3A_140, %dma_start3A_155] : memref<32768x2048xf32, #tpu.memory_space<hbm>> -> memref<16x2048xf32, #tpu.memory_space<hbm>>
        tpu.enqueue_dma source(%dma_start3A_156 : memref<16x2048xf32, #tpu.memory_space<hbm>>) target(%dma_start3A_154 : memref<16x2048xf32, #tpu.memory_space<vmem>>) target_semaphore(%dma_start3A_150 : memref<!tpu.dma_semaphore, #tpu.memory_space<semaphore_mem>>)
      } else {
      }
      %mul3A_76 = arith.constant 16 : i32
      %mul3A_77 = arith.muli %add3A_70, %mul3A_76 : i32
      %add3A_78 = arith.addi %add3A_37, %mul3A_77 : i32
      %dma_wait3A = arith.constant 0 : i32
      %dma_wait3A_79 = arith.constant 0 : i32
      %dma_wait3A_80 = arith.constant 0 : i32
      %dma_wait3A_81 = arith.constant 0 : i32
      %dma_wait3A_82 = tpu.memref_slice %arg4[%dma_wait3A, %dma_wait3A_80, %dma_wait3A_81] : memref<2x16x2048xf32, #tpu.memory_space<vmem>> -> memref<1x16x2048xf32, #tpu.memory_space<vmem>>
      %dma_wait3A_83 = tpu.memref_squeeze %dma_wait3A_82 : memref<1x16x2048xf32, #tpu.memory_space<vmem>> -> memref<16x2048xf32, #tpu.memory_space<vmem>>
      %dma_wait3A_84 = arith.constant 0 : i32
      %dma_wait3A_85 = tpu.memref_slice %arg2[%add3A_78, %dma_wait3A_84] : memref<32768x2048xf32, #tpu.memory_space<hbm>> -> memref<16x2048xf32, #tpu.memory_space<hbm>>
      %dma_wait3A_86 = tpu.memref_slice %arg6[%dma_wait3A_79] : memref<2x!tpu.dma_semaphore, #tpu.memory_space<semaphore_mem>> -> memref<1x!tpu.dma_semaphore, #tpu.memory_space<semaphore_mem>>
      %dma_wait3A_87 = tpu.memref_squeeze %dma_wait3A_86 : memref<1x!tpu.dma_semaphore, #tpu.memory_space<semaphore_mem>> -> memref<!tpu.dma_semaphore, #tpu.memory_space<semaphore_mem>>
      %dma_wait3A_88 = arith.constant 0 : i32
      %dma_wait3A_89 = arith.constant 0 : i32
      %dma_wait3A_90 = tpu.memref_slice %arg4[%dma_wait3A, %dma_wait3A_88, %dma_wait3A_89] : memref<2x16x2048xf32, #tpu.memory_space<vmem>> -> memref<1x16x2048xf32, #tpu.memory_space<vmem>>
      %dma_wait3A_91 = tpu.memref_squeeze %dma_wait3A_90 : memref<1x16x2048xf32, #tpu.memory_space<vmem>> -> memref<16x2048xf32, #tpu.memory_space<vmem>>
      %dma_wait3A_92 = arith.constant 0 : i32
      %dma_wait3A_93 = tpu.memref_slice %arg2[%add3A_78, %dma_wait3A_92] : memref<32768x2048xf32, #tpu.memory_space<hbm>> -> memref<16x2048xf32, #tpu.memory_space<hbm>>
      tpu.wait_dma2 semaphore(%dma_wait3A_87 : memref<!tpu.dma_semaphore, #tpu.memory_space<semaphore_mem>>) src(%dma_wait3A_93 : memref<16x2048xf32, #tpu.memory_space<hbm>>) dst(%dma_wait3A_91 : memref<16x2048xf32, #tpu.memory_space<vmem>>)
      %scan3A_94 = arith.constant 0 : i32
      %scan3A_95 = arith.constant 0 : i32
      %scan3A_96 = arith.constant 128 : i32
      %scan3A_97 = arith.addi %scan3A_95, %scan3A_96 : i32
      %scan3A_98 = arith.constant 1 : i32
      scf.for %scan3A_136 = %scan3A_95 to %scan3A_97 step %scan3A_98  : i32 {
        %mul3A_137 = arith.constant 16 : i32
        %mul3A_138 = arith.muli %scan3A_136, %mul3A_137 : i32
        %get3A = arith.constant 0 : i32
        %get3A_139 = arith.constant 0 : i32
        %get3A_140 = arith.index_cast %get3A : i32 to index
        %get3A_141 = arith.index_cast %get3A_139 : i32 to index
        %get3A_142 = arith.index_cast %mul3A_138 : i32 to index
        %get3A_143 = tpu.vector_load %arg4[%get3A_140, %get3A_141, %get3A_142] {strides = array<i32>} : memref<2x16x2048xf32, #tpu.memory_space<vmem>>, vector<1x1x16xf32>,
        %get3A_144 = vector.shape_cast %get3A_143 : vector<1x1x16xf32> to vector<16xf32>
        %get3A_145 = arith.constant 0 : i32
        %get3A_146 = arith.constant 1 : i32
        %get3A_147 = arith.index_cast %get3A_145 : i32 to index
        %get3A_148 = arith.index_cast %get3A_146 : i32 to index
        %get3A_149 = arith.index_cast %mul3A_138 : i32 to index
        %get3A_150 = tpu.vector_load %arg4[%get3A_147, %get3A_148, %get3A_149] {strides = array<i32>} : memref<2x16x2048xf32, #tpu.memory_space<vmem>>, vector<1x1x16xf32>,
        %get3A_151 = vector.shape_cast %get3A_150 : vector<1x1x16xf32> to vector<16xf32>
        %get3A_152 = arith.constant 0 : i32
        %get3A_153 = arith.constant 2 : i32
        %get3A_154 = arith.index_cast %get3A_152 : i32 to index
        %get3A_155 = arith.index_cast %get3A_153 : i32 to index
        %get3A_156 = arith.index_cast %mul3A_138 : i32 to index
        %get3A_157 = tpu.vector_load %arg4[%get3A_154, %get3A_155, %get3A_156] {strides = array<i32>} : memref<2x16x2048xf32, #tpu.memory_space<vmem>>, vector<1x1x16xf32>,
        %get3A_158 = vector.shape_cast %get3A_157 : vector<1x1x16xf32> to vector<16xf32>
        %get3A_159 = arith.constant 0 : i32
        %get3A_160 = arith.constant 3 : i32
        %get3A_161 = arith.index_cast %get3A_159 : i32 to index
        %get3A_162 = arith.index_cast %get3A_160 : i32 to index
        %get3A_163 = arith.index_cast %mul3A_138 : i32 to index
        %get3A_164 = tpu.vector_load %arg4[%get3A_161, %get3A_162, %get3A_163] {strides = array<i32>} : memref<2x16x2048xf32, #tpu.memory_space<vmem>>, vector<1x1x16xf32>,
        %get3A_165 = vector.shape_cast %get3A_164 : vector<1x1x16xf32> to vector<16xf32>
        %get3A_166 = arith.constant 0 : i32
        %get3A_167 = arith.constant 4 : i32
        %get3A_168 = arith.index_cast %get3A_166 : i32 to index
        %get3A_169 = arith.index_cast %get3A_167 : i32 to index
        %get3A_170 = arith.index_cast %mul3A_138 : i32 to index
        %get3A_171 = tpu.vector_load %arg4[%get3A_168, %get3A_169, %get3A_170] {strides = array<i32>} : memref<2x16x2048xf32, #tpu.memory_space<vmem>>, vector<1x1x16xf32>,
        %get3A_172 = vector.shape_cast %get3A_171 : vector<1x1x16xf32> to vector<16xf32>
        %get3A_173 = arith.constant 0 : i32
        %get3A_174 = arith.constant 5 : i32
        %get3A_175 = arith.index_cast %get3A_173 : i32 to index
        %get3A_176 = arith.index_cast %get3A_174 : i32 to index
        %get3A_177 = arith.index_cast %mul3A_138 : i32 to index
        %get3A_178 = tpu.vector_load %arg4[%get3A_175, %get3A_176, %get3A_177] {strides = array<i32>} : memref<2x16x2048xf32, #tpu.memory_space<vmem>>, vector<1x1x16xf32>,
        %get3A_179 = vector.shape_cast %get3A_178 : vector<1x1x16xf32> to vector<16xf32>
        %get3A_180 = arith.constant 0 : i32
        %get3A_181 = arith.constant 6 : i32
        %get3A_182 = arith.index_cast %get3A_180 : i32 to index
        %get3A_183 = arith.index_cast %get3A_181 : i32 to index
        %get3A_184 = arith.index_cast %mul3A_138 : i32 to index
        %get3A_185 = tpu.vector_load %arg4[%get3A_182, %get3A_183, %get3A_184] {strides = array<i32>} : memref<2x16x2048xf32, #tpu.memory_space<vmem>>, vector<1x1x16xf32>,
        %get3A_186 = vector.shape_cast %get3A_185 : vector<1x1x16xf32> to vector<16xf32>
        %get3A_187 = arith.constant 0 : i32
        %get3A_188 = arith.constant 7 : i32
        %get3A_189 = arith.index_cast %get3A_187 : i32 to index
        %get3A_190 = arith.index_cast %get3A_188 : i32 to index
        %get3A_191 = arith.index_cast %mul3A_138 : i32 to index
        %get3A_192 = tpu.vector_load %arg4[%get3A_189, %get3A_190, %get3A_191] {strides = array<i32>} : memref<2x16x2048xf32, #tpu.memory_space<vmem>>, vector<1x1x16xf32>,
        %get3A_193 = vector.shape_cast %get3A_192 : vector<1x1x16xf32> to vector<16xf32>
        %get3A_194 = arith.constant 0 : i32
        %get3A_195 = arith.constant 8 : i32
        %get3A_196 = arith.index_cast %get3A_194 : i32 to index
        %get3A_197 = arith.index_cast %get3A_195 : i32 to index
        %get3A_198 = arith.index_cast %mul3A_138 : i32 to index
        %get3A_199 = tpu.vector_load %arg4[%get3A_196, %get3A_197, %get3A_198] {strides = array<i32>} : memref<2x16x2048xf32, #tpu.memory_space<vmem>>, vector<1x1x16xf32>,
        %get3A_200 = vector.shape_cast %get3A_199 : vector<1x1x16xf32> to vector<16xf32>
        %get3A_201 = arith.constant 0 : i32
        %get3A_202 = arith.constant 9 : i32
        %get3A_203 = arith.index_cast %get3A_201 : i32 to index
        %get3A_204 = arith.index_cast %get3A_202 : i32 to index
        %get3A_205 = arith.index_cast %mul3A_138 : i32 to index
        %get3A_206 = tpu.vector_load %arg4[%get3A_203, %get3A_204, %get3A_205] {strides = array<i32>} : memref<2x16x2048xf32, #tpu.memory_space<vmem>>, vector<1x1x16xf32>,
        %get3A_207 = vector.shape_cast %get3A_206 : vector<1x1x16xf32> to vector<16xf32>
        %get3A_208 = arith.constant 0 : i32
        %get3A_209 = arith.constant 10 : i32
        %get3A_210 = arith.index_cast %get3A_208 : i32 to index
        %get3A_211 = arith.index_cast %get3A_209 : i32 to index
        %get3A_212 = arith.index_cast %mul3A_138 : i32 to index
        %get3A_213 = tpu.vector_load %arg4[%get3A_210, %get3A_211, %get3A_212] {strides = array<i32>} : memref<2x16x2048xf32, #tpu.memory_space<vmem>>, vector<1x1x16xf32>,
        %get3A_214 = vector.shape_cast %get3A_213 : vector<1x1x16xf32> to vector<16xf32>
        %get3A_215 = arith.constant 0 : i32
        %get3A_216 = arith.constant 11 : i32
        %get3A_217 = arith.index_cast %get3A_215 : i32 to index
        %get3A_218 = arith.index_cast %get3A_216 : i32 to index
        %get3A_219 = arith.index_cast %mul3A_138 : i32 to index
        %get3A_220 = tpu.vector_load %arg4[%get3A_217, %get3A_218, %get3A_219] {strides = array<i32>} : memref<2x16x2048xf32, #tpu.memory_space<vmem>>, vector<1x1x16xf32>,
        %get3A_221 = vector.shape_cast %get3A_220 : vector<1x1x16xf32> to vector<16xf32>
        %get3A_222 = arith.constant 0 : i32
        %get3A_223 = arith.constant 12 : i32
        %get3A_224 = arith.index_cast %get3A_222 : i32 to index
        %get3A_225 = arith.index_cast %get3A_223 : i32 to index
        %get3A_226 = arith.index_cast %mul3A_138 : i32 to index
        %get3A_227 = tpu.vector_load %arg4[%get3A_224, %get3A_225, %get3A_226] {strides = array<i32>} : memref<2x16x2048xf32, #tpu.memory_space<vmem>>, vector<1x1x16xf32>,
        %get3A_228 = vector.shape_cast %get3A_227 : vector<1x1x16xf32> to vector<16xf32>
        %get3A_229 = arith.constant 0 : i32
        %get3A_230 = arith.constant 13 : i32
        %get3A_231 = arith.index_cast %get3A_229 : i32 to index
        %get3A_232 = arith.index_cast %get3A_230 : i32 to index
        %get3A_233 = arith.index_cast %mul3A_138 : i32 to index
        %get3A_234 = tpu.vector_load %arg4[%get3A_231, %get3A_232, %get3A_233] {strides = array<i32>} : memref<2x16x2048xf32, #tpu.memory_space<vmem>>, vector<1x1x16xf32>,
        %get3A_235 = vector.shape_cast %get3A_234 : vector<1x1x16xf32> to vector<16xf32>
        %get3A_236 = arith.constant 0 : i32
        %get3A_237 = arith.constant 14 : i32
        %get3A_238 = arith.index_cast %get3A_236 : i32 to index
        %get3A_239 = arith.index_cast %get3A_237 : i32 to index
        %get3A_240 = arith.index_cast %mul3A_138 : i32 to index
        %get3A_241 = tpu.vector_load %arg4[%get3A_238, %get3A_239, %get3A_240] {strides = array<i32>} : memref<2x16x2048xf32, #tpu.memory_space<vmem>>, vector<1x1x16xf32>,
        %get3A_242 = vector.shape_cast %get3A_241 : vector<1x1x16xf32> to vector<16xf32>
        %get3A_243 = arith.constant 0 : i32
        %get3A_244 = arith.constant 15 : i32
        %get3A_245 = arith.index_cast %get3A_243 : i32 to index
        %get3A_246 = arith.index_cast %get3A_244 : i32 to index
        %get3A_247 = arith.index_cast %mul3A_138 : i32 to index
        %get3A_248 = tpu.vector_load %arg4[%get3A_245, %get3A_246, %get3A_247] {strides = array<i32>} : memref<2x16x2048xf32, #tpu.memory_space<vmem>>, vector<1x1x16xf32>,
        %get3A_249 = vector.shape_cast %get3A_248 : vector<1x1x16xf32> to vector<16xf32>
        %get3A_250 = arith.index_cast %mul3A_138 : i32 to index
        %get3A_251 = tpu.vector_load %arg5[%get3A_250] {strides = array<i32>} : memref<2048xf32, #tpu.memory_space<vmem>>, vector<16xf32>,
        %get3A_252 = vector.shape_cast %get3A_251 : vector<16xf32> to vector<16xf32>
        %add3A_253 = arith.addf %get3A_144, %get3A_151 : vector<16xf32>
        %add3A_254 = arith.addf %get3A_158, %get3A_165 : vector<16xf32>
        %add3A_255 = arith.addf %get3A_172, %get3A_179 : vector<16xf32>
        %add3A_256 = arith.addf %get3A_186, %get3A_193 : vector<16xf32>
        %add3A_257 = arith.addf %get3A_200, %get3A_207 : vector<16xf32>
        %add3A_258 = arith.addf %get3A_214, %get3A_221 : vector<16xf32>
        %add3A_259 = arith.addf %get3A_228, %get3A_235 : vector<16xf32>
        %add3A_260 = arith.addf %get3A_242, %get3A_249 : vector<16xf32>
        %add3A_261 = arith.addf %add3A_253, %add3A_254 : vector<16xf32>
        %add3A_262 = arith.addf %add3A_255, %add3A_256 : vector<16xf32>
        %add3A_263 = arith.addf %add3A_257, %add3A_258 : vector<16xf32>
        %add3A_264 = arith.addf %add3A_259, %add3A_260 : vector<16xf32>
        %add3A_265 = arith.addf %add3A_261, %add3A_262 : vector<16xf32>
        %add3A_266 = arith.addf %add3A_263, %add3A_264 : vector<16xf32>
        %add3A_267 = arith.addf %add3A_265, %add3A_266 : vector<16xf32>
        %add3A_268 = arith.addf %get3A_252, %add3A_267 : vector<16xf32>
        %swap3A = arith.index_cast %mul3A_138 : i32 to index
        %swap3A_269 = tpu.vector_load %arg5[%swap3A] {strides = array<i32>} : memref<2048xf32, #tpu.memory_space<vmem>>, vector<16xf32>,
        %swap3A_270 = vector.shape_cast %swap3A_269 : vector<16xf32> to vector<16xf32>
        %swap3A_271 = vector.shape_cast %add3A_268 : vector<16xf32> to vector<16xf32>
        tpu.vector_store %arg5[%swap3A], %swap3A_271 {strides = array<i32>} : memref<2048xf32, #tpu.memory_space<vmem>>, vector<16xf32>,
      }
      %scan3A_99 = arith.constant 128 : i32
      %mul3A_100 = arith.constant 2 : i32
      %mul3A_101 = arith.muli %scan3A_66, %mul3A_100 : i32
      %add3A_102 = arith.constant 1 : i32
      %add3A_103 = arith.addi %mul3A_101, %add3A_102 : i32
      %add3A_104 = arith.constant 1 : i32
      %add3A_105 = arith.addi %add3A_103, %add3A_104 : i32
      %lt3A_106 = arith.constant 24 : i32
      %lt3A_107 = arith.cmpi slt, %add3A_105, %lt3A_106 : i32
      %convert_element_type3A_108 = arith.extui %lt3A_107 : i1 to i32
      %cond3A_109 = arith.constant 0 : i32
      %cond3A_110 = arith.cmpi ne, %convert_element_type3A_108, %cond3A_109 : i32
      scf.if %cond3A_110 {
        %add3A_136 = arith.constant 1 : i32
        %add3A_137 = arith.addi %add3A_103, %add3A_136 : i32
        %mul3A_138 = arith.constant 16 : i32
        %mul3A_139 = arith.muli %add3A_137, %mul3A_138 : i32
        %add3A_140 = arith.addi %add3A_37, %mul3A_139 : i32
        %dma_start3A_141 = arith.constant 0 : i32
        %dma_start3A_142 = arith.constant 0 : i32
        %dma_start3A_143 = arith.constant 0 : i32
        %dma_start3A_144 = arith.constant 0 : i32
        %dma_start3A_145 = tpu.memref_slice %arg4[%dma_start3A_141, %dma_start3A_143, %dma_start3A_144] : memref<2x16x2048xf32, #tpu.memory_space<vmem>> -> memref<1x16x2048xf32, #tpu.memory_space<vmem>>
        %dma_start3A_146 = tpu.memref_squeeze %dma_start3A_145 : memref<1x16x2048xf32, #tpu.memory_space<vmem>> -> memref<16x2048xf32, #tpu.memory_space<vmem>>
        %dma_start3A_147 = arith.constant 0 : i32
        %dma_start3A_148 = tpu.memref_slice %arg2[%add3A_140, %dma_start3A_147] : memref<32768x2048xf32, #tpu.memory_space<hbm>> -> memref<16x2048xf32, #tpu.memory_space<hbm>>
        %dma_start3A_149 = tpu.memref_slice %arg6[%dma_start3A_142] : memref<2x!tpu.dma_semaphore, #tpu.memory_space<semaphore_mem>> -> memref<1x!tpu.dma_semaphore, #tpu.memory_space<semaphore_mem>>
        %dma_start3A_150 = tpu.memref_squeeze %dma_start3A_149 : memref<1x!tpu.dma_semaphore, #tpu.memory_space<semaphore_mem>> -> memref<!tpu.dma_semaphore, #tpu.memory_space<semaphore_mem>>
        %dma_start3A_151 = arith.constant 0 : i32
        %dma_start3A_152 = arith.constant 0 : i32
        %dma_start3A_153 = tpu.memref_slice %arg4[%dma_start3A_141, %dma_start3A_151, %dma_start3A_152] : memref<2x16x2048xf32, #tpu.memory_space<vmem>> -> memref<1x16x2048xf32, #tpu.memory_space<vmem>>
        %dma_start3A_154 = tpu.memref_squeeze %dma_start3A_153 : memref<1x16x2048xf32, #tpu.memory_space<vmem>> -> memref<16x2048xf32, #tpu.memory_space<vmem>>
        %dma_start3A_155 = arith.constant 0 : i32
        %dma_start3A_156 = tpu.memref_slice %arg2[%add3A_140, %dma_start3A_155] : memref<32768x2048xf32, #tpu.memory_space<hbm>> -> memref<16x2048xf32, #tpu.memory_space<hbm>>
        tpu.enqueue_dma source(%dma_start3A_156 : memref<16x2048xf32, #tpu.memory_space<hbm>>) target(%dma_start3A_154 : memref<16x2048xf32, #tpu.memory_space<vmem>>) target_semaphore(%dma_start3A_150 : memref<!tpu.dma_semaphore, #tpu.memory_space<semaphore_mem>>)
      } else {
      }
      %mul3A_111 = arith.constant 16 : i32
      %mul3A_112 = arith.muli %add3A_103, %mul3A_111 : i32
      %add3A_113 = arith.addi %add3A_37, %mul3A_112 : i32
      %dma_wait3A_114 = arith.constant 1 : i32
      %dma_wait3A_115 = arith.constant 1 : i32
      %dma_wait3A_116 = arith.constant 0 : i32
      %dma_wait3A_117 = arith.constant 0 : i32
      %dma_wait3A_118 = tpu.memref_slice %arg4[%dma_wait3A_114, %dma_wait3A_116, %dma_wait3A_117] : memref<2x16x2048xf32, #tpu.memory_space<vmem>> -> memref<1x16x2048xf32, #tpu.memory_space<vmem>>
      %dma_wait3A_119 = tpu.memref_squeeze %dma_wait3A_118 : memref<1x16x2048xf32, #tpu.memory_space<vmem>> -> memref<16x2048xf32, #tpu.memory_space<vmem>>
      %dma_wait3A_120 = arith.constant 0 : i32
      %dma_wait3A_121 = tpu.memref_slice %arg2[%add3A_113, %dma_wait3A_120] : memref<32768x2048xf32, #tpu.memory_space<hbm>> -> memref<16x2048xf32, #tpu.memory_space<hbm>>
      %dma_wait3A_122 = tpu.memref_slice %arg6[%dma_wait3A_115] : memref<2x!tpu.dma_semaphore, #tpu.memory_space<semaphore_mem>> -> memref<1x!tpu.dma_semaphore, #tpu.memory_space<semaphore_mem>>
      %dma_wait3A_123 = tpu.memref_squeeze %dma_wait3A_122 : memref<1x!tpu.dma_semaphore, #tpu.memory_space<semaphore_mem>> -> memref<!tpu.dma_semaphore, #tpu.memory_space<semaphore_mem>>
      %dma_wait3A_124 = arith.constant 0 : i32
      %dma_wait3A_125 = arith.constant 0 : i32
      %dma_wait3A_126 = tpu.memref_slice %arg4[%dma_wait3A_114, %dma_wait3A_124, %dma_wait3A_125] : memref<2x16x2048xf32, #tpu.memory_space<vmem>> -> memref<1x16x2048xf32, #tpu.memory_space<vmem>>
      %dma_wait3A_127 = tpu.memref_squeeze %dma_wait3A_126 : memref<1x16x2048xf32, #tpu.memory_space<vmem>> -> memref<16x2048xf32, #tpu.memory_space<vmem>>
      %dma_wait3A_128 = arith.constant 0 : i32
      %dma_wait3A_129 = tpu.memref_slice %arg2[%add3A_113, %dma_wait3A_128] : memref<32768x2048xf32, #tpu.memory_space<hbm>> -> memref<16x2048xf32, #tpu.memory_space<hbm>>
      tpu.wait_dma2 semaphore(%dma_wait3A_123 : memref<!tpu.dma_semaphore, #tpu.memory_space<semaphore_mem>>) src(%dma_wait3A_129 : memref<16x2048xf32, #tpu.memory_space<hbm>>) dst(%dma_wait3A_127 : memref<16x2048xf32, #tpu.memory_space<vmem>>)
      %scan3A_130 = arith.constant 0 : i32
      %scan3A_131 = arith.constant 0 : i32
      %scan3A_132 = arith.constant 128 : i32
      %scan3A_133 = arith.addi %scan3A_131, %scan3A_132 : i32
      %scan3A_134 = arith.constant 1 : i32
      scf.for %scan3A_136 = %scan3A_131 to %scan3A_133 step %scan3A_134  : i32 {
        %mul3A_137 = arith.constant 16 : i32
        %mul3A_138 = arith.muli %scan3A_136, %mul3A_137 : i32
        %get3A = arith.constant 1 : i32
        %get3A_139 = arith.constant 0 : i32
        %get3A_140 = arith.index_cast %get3A : i32 to index
        %get3A_141 = arith.index_cast %get3A_139 : i32 to index
        %get3A_142 = arith.index_cast %mul3A_138 : i32 to index
        %get3A_143 = tpu.vector_load %arg4[%get3A_140, %get3A_141, %get3A_142] {strides = array<i32>} : memref<2x16x2048xf32, #tpu.memory_space<vmem>>, vector<1x1x16xf32>,
        %get3A_144 = vector.shape_cast %get3A_143 : vector<1x1x16xf32> to vector<16xf32>
        %get3A_145 = arith.constant 1 : i32
        %get3A_146 = arith.constant 1 : i32
        %get3A_147 = arith.index_cast %get3A_145 : i32 to index
        %get3A_148 = arith.index_cast %get3A_146 : i32 to index
        %get3A_149 = arith.index_cast %mul3A_138 : i32 to index
        %get3A_150 = tpu.vector_load %arg4[%get3A_147, %get3A_148, %get3A_149] {strides = array<i32>} : memref<2x16x2048xf32, #tpu.memory_space<vmem>>, vector<1x1x16xf32>,
        %get3A_151 = vector.shape_cast %get3A_150 : vector<1x1x16xf32> to vector<16xf32>
        %get3A_152 = arith.constant 1 : i32
        %get3A_153 = arith.constant 2 : i32
        %get3A_154 = arith.index_cast %get3A_152 : i32 to index
        %get3A_155 = arith.index_cast %get3A_153 : i32 to index
        %get3A_156 = arith.index_cast %mul3A_138 : i32 to index
        %get3A_157 = tpu.vector_load %arg4[%get3A_154, %get3A_155, %get3A_156] {strides = array<i32>} : memref<2x16x2048xf32, #tpu.memory_space<vmem>>, vector<1x1x16xf32>,
        %get3A_158 = vector.shape_cast %get3A_157 : vector<1x1x16xf32> to vector<16xf32>
        %get3A_159 = arith.constant 1 : i32
        %get3A_160 = arith.constant 3 : i32
        %get3A_161 = arith.index_cast %get3A_159 : i32 to index
        %get3A_162 = arith.index_cast %get3A_160 : i32 to index
        %get3A_163 = arith.index_cast %mul3A_138 : i32 to index
        %get3A_164 = tpu.vector_load %arg4[%get3A_161, %get3A_162, %get3A_163] {strides = array<i32>} : memref<2x16x2048xf32, #tpu.memory_space<vmem>>, vector<1x1x16xf32>,
        %get3A_165 = vector.shape_cast %get3A_164 : vector<1x1x16xf32> to vector<16xf32>
        %get3A_166 = arith.constant 1 : i32
        %get3A_167 = arith.constant 4 : i32
        %get3A_168 = arith.index_cast %get3A_166 : i32 to index
        %get3A_169 = arith.index_cast %get3A_167 : i32 to index
        %get3A_170 = arith.index_cast %mul3A_138 : i32 to index
        %get3A_171 = tpu.vector_load %arg4[%get3A_168, %get3A_169, %get3A_170] {strides = array<i32>} : memref<2x16x2048xf32, #tpu.memory_space<vmem>>, vector<1x1x16xf32>,
        %get3A_172 = vector.shape_cast %get3A_171 : vector<1x1x16xf32> to vector<16xf32>
        %get3A_173 = arith.constant 1 : i32
        %get3A_174 = arith.constant 5 : i32
        %get3A_175 = arith.index_cast %get3A_173 : i32 to index
        %get3A_176 = arith.index_cast %get3A_174 : i32 to index
        %get3A_177 = arith.index_cast %mul3A_138 : i32 to index
        %get3A_178 = tpu.vector_load %arg4[%get3A_175, %get3A_176, %get3A_177] {strides = array<i32>} : memref<2x16x2048xf32, #tpu.memory_space<vmem>>, vector<1x1x16xf32>,
        %get3A_179 = vector.shape_cast %get3A_178 : vector<1x1x16xf32> to vector<16xf32>
        %get3A_180 = arith.constant 1 : i32
        %get3A_181 = arith.constant 6 : i32
        %get3A_182 = arith.index_cast %get3A_180 : i32 to index
        %get3A_183 = arith.index_cast %get3A_181 : i32 to index
        %get3A_184 = arith.index_cast %mul3A_138 : i32 to index
        %get3A_185 = tpu.vector_load %arg4[%get3A_182, %get3A_183, %get3A_184] {strides = array<i32>} : memref<2x16x2048xf32, #tpu.memory_space<vmem>>, vector<1x1x16xf32>,
        %get3A_186 = vector.shape_cast %get3A_185 : vector<1x1x16xf32> to vector<16xf32>
        %get3A_187 = arith.constant 1 : i32
        %get3A_188 = arith.constant 7 : i32
        %get3A_189 = arith.index_cast %get3A_187 : i32 to index
        %get3A_190 = arith.index_cast %get3A_188 : i32 to index
        %get3A_191 = arith.index_cast %mul3A_138 : i32 to index
        %get3A_192 = tpu.vector_load %arg4[%get3A_189, %get3A_190, %get3A_191] {strides = array<i32>} : memref<2x16x2048xf32, #tpu.memory_space<vmem>>, vector<1x1x16xf32>,
        %get3A_193 = vector.shape_cast %get3A_192 : vector<1x1x16xf32> to vector<16xf32>
        %get3A_194 = arith.constant 1 : i32
        %get3A_195 = arith.constant 8 : i32
        %get3A_196 = arith.index_cast %get3A_194 : i32 to index
        %get3A_197 = arith.index_cast %get3A_195 : i32 to index
        %get3A_198 = arith.index_cast %mul3A_138 : i32 to index
        %get3A_199 = tpu.vector_load %arg4[%get3A_196, %get3A_197, %get3A_198] {strides = array<i32>} : memref<2x16x2048xf32, #tpu.memory_space<vmem>>, vector<1x1x16xf32>,
        %get3A_200 = vector.shape_cast %get3A_199 : vector<1x1x16xf32> to vector<16xf32>
        %get3A_201 = arith.constant 1 : i32
        %get3A_202 = arith.constant 9 : i32
        %get3A_203 = arith.index_cast %get3A_201 : i32 to index
        %get3A_204 = arith.index_cast %get3A_202 : i32 to index
        %get3A_205 = arith.index_cast %mul3A_138 : i32 to index
        %get3A_206 = tpu.vector_load %arg4[%get3A_203, %get3A_204, %get3A_205] {strides = array<i32>} : memref<2x16x2048xf32, #tpu.memory_space<vmem>>, vector<1x1x16xf32>,
        %get3A_207 = vector.shape_cast %get3A_206 : vector<1x1x16xf32> to vector<16xf32>
        %get3A_208 = arith.constant 1 : i32
        %get3A_209 = arith.constant 10 : i32
        %get3A_210 = arith.index_cast %get3A_208 : i32 to index
        %get3A_211 = arith.index_cast %get3A_209 : i32 to index
        %get3A_212 = arith.index_cast %mul3A_138 : i32 to index
        %get3A_213 = tpu.vector_load %arg4[%get3A_210, %get3A_211, %get3A_212] {strides = array<i32>} : memref<2x16x2048xf32, #tpu.memory_space<vmem>>, vector<1x1x16xf32>,
        %get3A_214 = vector.shape_cast %get3A_213 : vector<1x1x16xf32> to vector<16xf32>
        %get3A_215 = arith.constant 1 : i32
        %get3A_216 = arith.constant 11 : i32
        %get3A_217 = arith.index_cast %get3A_215 : i32 to index
        %get3A_218 = arith.index_cast %get3A_216 : i32 to index
        %get3A_219 = arith.index_cast %mul3A_138 : i32 to index
        %get3A_220 = tpu.vector_load %arg4[%get3A_217, %get3A_218, %get3A_219] {strides = array<i32>} : memref<2x16x2048xf32, #tpu.memory_space<vmem>>, vector<1x1x16xf32>,
        %get3A_221 = vector.shape_cast %get3A_220 : vector<1x1x16xf32> to vector<16xf32>
        %get3A_222 = arith.constant 1 : i32
        %get3A_223 = arith.constant 12 : i32
        %get3A_224 = arith.index_cast %get3A_222 : i32 to index
        %get3A_225 = arith.index_cast %get3A_223 : i32 to index
        %get3A_226 = arith.index_cast %mul3A_138 : i32 to index
        %get3A_227 = tpu.vector_load %arg4[%get3A_224, %get3A_225, %get3A_226] {strides = array<i32>} : memref<2x16x2048xf32, #tpu.memory_space<vmem>>, vector<1x1x16xf32>,
        %get3A_228 = vector.shape_cast %get3A_227 : vector<1x1x16xf32> to vector<16xf32>
        %get3A_229 = arith.constant 1 : i32
        %get3A_230 = arith.constant 13 : i32
        %get3A_231 = arith.index_cast %get3A_229 : i32 to index
        %get3A_232 = arith.index_cast %get3A_230 : i32 to index
        %get3A_233 = arith.index_cast %mul3A_138 : i32 to index
        %get3A_234 = tpu.vector_load %arg4[%get3A_231, %get3A_232, %get3A_233] {strides = array<i32>} : memref<2x16x2048xf32, #tpu.memory_space<vmem>>, vector<1x1x16xf32>,
        %get3A_235 = vector.shape_cast %get3A_234 : vector<1x1x16xf32> to vector<16xf32>
        %get3A_236 = arith.constant 1 : i32
        %get3A_237 = arith.constant 14 : i32
        %get3A_238 = arith.index_cast %get3A_236 : i32 to index
        %get3A_239 = arith.index_cast %get3A_237 : i32 to index
        %get3A_240 = arith.index_cast %mul3A_138 : i32 to index
        %get3A_241 = tpu.vector_load %arg4[%get3A_238, %get3A_239, %get3A_240] {strides = array<i32>} : memref<2x16x2048xf32, #tpu.memory_space<vmem>>, vector<1x1x16xf32>,
        %get3A_242 = vector.shape_cast %get3A_241 : vector<1x1x16xf32> to vector<16xf32>
        %get3A_243 = arith.constant 1 : i32
        %get3A_244 = arith.constant 15 : i32
        %get3A_245 = arith.index_cast %get3A_243 : i32 to index
        %get3A_246 = arith.index_cast %get3A_244 : i32 to index
        %get3A_247 = arith.index_cast %mul3A_138 : i32 to index
        %get3A_248 = tpu.vector_load %arg4[%get3A_245, %get3A_246, %get3A_247] {strides = array<i32>} : memref<2x16x2048xf32, #tpu.memory_space<vmem>>, vector<1x1x16xf32>,
        %get3A_249 = vector.shape_cast %get3A_248 : vector<1x1x16xf32> to vector<16xf32>
        %get3A_250 = arith.index_cast %mul3A_138 : i32 to index
        %get3A_251 = tpu.vector_load %arg5[%get3A_250] {strides = array<i32>} : memref<2048xf32, #tpu.memory_space<vmem>>, vector<16xf32>,
        %get3A_252 = vector.shape_cast %get3A_251 : vector<16xf32> to vector<16xf32>
        %add3A_253 = arith.addf %get3A_144, %get3A_151 : vector<16xf32>
        %add3A_254 = arith.addf %get3A_158, %get3A_165 : vector<16xf32>
        %add3A_255 = arith.addf %get3A_172, %get3A_179 : vector<16xf32>
        %add3A_256 = arith.addf %get3A_186, %get3A_193 : vector<16xf32>
        %add3A_257 = arith.addf %get3A_200, %get3A_207 : vector<16xf32>
        %add3A_258 = arith.addf %get3A_214, %get3A_221 : vector<16xf32>
        %add3A_259 = arith.addf %get3A_228, %get3A_235 : vector<16xf32>
        %add3A_260 = arith.addf %get3A_242, %get3A_249 : vector<16xf32>
        %add3A_261 = arith.addf %add3A_253, %add3A_254 : vector<16xf32>
        %add3A_262 = arith.addf %add3A_255, %add3A_256 : vector<16xf32>
        %add3A_263 = arith.addf %add3A_257, %add3A_258 : vector<16xf32>
        %add3A_264 = arith.addf %add3A_259, %add3A_260 : vector<16xf32>
        %add3A_265 = arith.addf %add3A_261, %add3A_262 : vector<16xf32>
        %add3A_266 = arith.addf %add3A_263, %add3A_264 : vector<16xf32>
        %add3A_267 = arith.addf %add3A_265, %add3A_266 : vector<16xf32>
        %add3A_268 = arith.addf %get3A_252, %add3A_267 : vector<16xf32>
        %swap3A = arith.index_cast %mul3A_138 : i32 to index
        %swap3A_269 = tpu.vector_load %arg5[%swap3A] {strides = array<i32>} : memref<2048xf32, #tpu.memory_space<vmem>>, vector<16xf32>,
        %swap3A_270 = vector.shape_cast %swap3A_269 : vector<16xf32> to vector<16xf32>
        %swap3A_271 = vector.shape_cast %add3A_268 : vector<16xf32> to vector<16xf32>
        tpu.vector_store %arg5[%swap3A], %swap3A_271 {strides = array<i32>} : memref<2048xf32, #tpu.memory_space<vmem>>, vector<16xf32>,
      }
      %scan3A_135 = arith.constant 128 : i32
    }
    %scan3A_65 = arith.constant 12 : i32
    "tpu.region"() ({
      %run_scoped3A = tpu.sem_alloc : memref<!tpu.dma_semaphore, #tpu.memory_space<semaphore_mem>>
      %dma_start3A_66 = arith.constant 0 : i32
      %dma_start3A_67 = tpu.memref_slice %arg3[%select_n3A, %select_n3A_30, %dma_start3A_66] : memref<4x8x2048xf32, #tpu.memory_space<hbm>> -> memref<1x1x2048xf32, #tpu.memory_space<hbm>>
      %dma_start3A_68 = tpu.memref_squeeze %dma_start3A_67 : memref<1x1x2048xf32, #tpu.memory_space<hbm>> -> memref<2048xf32, #tpu.memory_space<hbm>>
      %dma_start3A_69 = arith.constant 0 : i32
      %dma_start3A_70 = tpu.memref_slice %arg3[%select_n3A, %select_n3A_30, %dma_start3A_69] : memref<4x8x2048xf32, #tpu.memory_space<hbm>> -> memref<1x1x2048xf32, #tpu.memory_space<hbm>>
      %dma_start3A_71 = tpu.memref_squeeze %dma_start3A_70 : memref<1x1x2048xf32, #tpu.memory_space<hbm>> -> memref<2048xf32, #tpu.memory_space<hbm>>
      tpu.enqueue_dma source(%arg5 : memref<2048xf32, #tpu.memory_space<vmem>>) target(%dma_start3A_71 : memref<2048xf32, #tpu.memory_space<hbm>>) target_semaphore(%run_scoped3A : memref<!tpu.dma_semaphore, #tpu.memory_space<semaphore_mem>>)
      %dma_wait3A = arith.constant 0 : i32
      %dma_wait3A_72 = tpu.memref_slice %arg3[%select_n3A, %select_n3A_30, %dma_wait3A] : memref<4x8x2048xf32, #tpu.memory_space<hbm>> -> memref<1x1x2048xf32, #tpu.memory_space<hbm>>
      %dma_wait3A_73 = tpu.memref_squeeze %dma_wait3A_72 : memref<1x1x2048xf32, #tpu.memory_space<hbm>> -> memref<2048xf32, #tpu.memory_space<hbm>>
      %dma_wait3A_74 = arith.constant 0 : i32
      %dma_wait3A_75 = tpu.memref_slice %arg3[%select_n3A, %select_n3A_30, %dma_wait3A_74] : memref<4x8x2048xf32, #tpu.memory_space<hbm>> -> memref<1x1x2048xf32, #tpu.memory_space<hbm>>
      %dma_wait3A_76 = tpu.memref_squeeze %dma_wait3A_75 : memref<1x1x2048xf32, #tpu.memory_space<hbm>> -> memref<2048xf32, #tpu.memory_space<hbm>>
      tpu.wait_dma2 semaphore(%run_scoped3A : memref<!tpu.dma_semaphore, #tpu.memory_space<semaphore_mem>>) src(%arg5 : memref<2048xf32, #tpu.memory_space<vmem>>) dst(%dma_wait3A_76 : memref<2048xf32, #tpu.memory_space<hbm>>)
      tpu.yield
    }) : () -> ()
    return
  }
}

module attributes {stable_mosaic.version = 14 : i64} {
  func.func @_tc_head_kernel(%arg0: i32, %arg1: memref<4x128x2048xf32, #tpu.memory_space<vmem>>, %arg2: memref<4x2048xf32, #tpu.memory_space<vmem>>, %arg3: memref<4x2048xf32, #tpu.memory_space<vmem>>) attributes {dimension_semantics = [#tpu.dimension_semantics<arbitrary>], iteration_bounds = array<i64: 40>, scalar_prefetch = 0 : i64, scratch_operands = 1 : i64, tpu.core_type = #tpu.core_type<tc>, window_params = [{transform_indices = @transform_0, window_bounds = array<i64: 4, 128, 2048>}, {pipeline_mode = #tpu.pipeline_mode<synchronous>, transform_indices = @transform_1, window_bounds = array<i64: 4, 2048>}]} {
    %eq3A = arith.constant 0 : i32
    %eq3A_0 = arith.cmpi eq, %arg0, %eq3A : i32
    %convert_element_type3A = arith.extui %eq3A_0 : i1 to i32
    %cond3A = arith.constant 0 : i32
    %cond3A_1 = arith.cmpi ne, %convert_element_type3A, %cond3A : i32
    scf.if %cond3A_1 {
      %broadcast_in_dim3A = arith.constant 0.000000e+00 : f32
      %broadcast_in_dim3A_16 = vector.broadcast %broadcast_in_dim3A : f32 to vector<4x2048xf32>
      %swap3A_17 = arith.constant 0 : index
      %swap3A_18 = arith.constant 0 : index
      %swap3A_19 = vector.load %arg3[%swap3A_17, %swap3A_18] : memref<4x2048xf32, #tpu.memory_space<vmem>>, vector<4x2048xf32>
      tpu.vector_store %arg3[%swap3A_17, %swap3A_18], %broadcast_in_dim3A_16 {strides = array<i32>} : memref<4x2048xf32, #tpu.memory_space<vmem>>, vector<4x2048xf32>,
    } else {
    }
    %get3A = arith.constant 0 : index
    %get3A_2 = arith.constant 0 : index
    %get3A_3 = vector.load %arg3[%get3A, %get3A_2] : memref<4x2048xf32, #tpu.memory_space<vmem>>, vector<4x2048xf32>
    %get3A_4 = arith.constant 0 : index
    %get3A_5 = arith.constant 0 : index
    %get3A_6 = arith.constant 0 : index
    %get3A_7 = vector.load %arg1[%get3A_4, %get3A_5, %get3A_6] : memref<4x128x2048xf32, #tpu.memory_space<vmem>>, vector<4x128x2048xf32>
    %reduce_sum3A = arith.constant dense<0.000000e+00> : vector<4x2048xf32>
    %reduce_sum3A_8 = vector.multi_reduction <add>, %get3A_7, %reduce_sum3A [1] : vector<4x128x2048xf32> to vector<4x2048xf32>
    %add3A = arith.addf %get3A_3, %reduce_sum3A_8 : vector<4x2048xf32>
    %swap3A = arith.constant 0 : index
    %swap3A_9 = arith.constant 0 : index
    %swap3A_10 = vector.load %arg3[%swap3A, %swap3A_9] : memref<4x2048xf32, #tpu.memory_space<vmem>>, vector<4x2048xf32>
    tpu.vector_store %arg3[%swap3A, %swap3A_9], %add3A {strides = array<i32>} : memref<4x2048xf32, #tpu.memory_space<vmem>>, vector<4x2048xf32>,
    %eq3A_11 = arith.constant 39 : i32
    %eq3A_12 = arith.cmpi eq, %arg0, %eq3A_11 : i32
    %convert_element_type3A_13 = arith.extui %eq3A_12 : i1 to i32
    %cond3A_14 = arith.constant 0 : i32
    %cond3A_15 = arith.cmpi ne, %convert_element_type3A_13, %cond3A_14 : i32
    scf.if %cond3A_15 {
      %get3A_16 = arith.constant 0 : index
      %get3A_17 = arith.constant 0 : index
      %get3A_18 = vector.load %arg3[%get3A_16, %get3A_17] : memref<4x2048xf32, #tpu.memory_space<vmem>>, vector<4x2048xf32>
      %swap3A_19 = arith.constant 0 : index
      %swap3A_20 = arith.constant 0 : index
      %swap3A_21 = vector.load %arg2[%swap3A_19, %swap3A_20] : memref<4x2048xf32, #tpu.memory_space<vmem>>, vector<4x2048xf32>
      tpu.vector_store %arg2[%swap3A_19, %swap3A_20], %get3A_18 {strides = array<i32>} : memref<4x2048xf32, #tpu.memory_space<vmem>>, vector<4x2048xf32>,
    } else {
    }
    return
  }
  func.func @transform_0(%arg0: i32) -> (i32, i32, i32) {
    %c0_i32 = arith.constant 0 : i32
    %c0_i32_0 = arith.constant 0 : i32
    %c0_i32_1 = arith.constant 0 : i32
    return %c0_i32, %arg0, %c0_i32_0 : i32, i32, i32
  }
  func.func @transform_1(%arg0: i32) -> (i32, i32) {
    %c0_i32 = arith.constant 0 : i32
    %c0_i32_0 = arith.constant 0 : i32
    %c0_i32_1 = arith.constant 0 : i32
    return %c0_i32, %c0_i32_0 : i32, i32
  }
}

module attributes {stable_mosaic.version = 14 : i64} {
  func.func @_combine_kernel(%arg0: memref<4x2048xf32, #tpu.memory_space<vmem>>, %arg1: memref<4x8x2048xf32, #tpu.memory_space<vmem>>, %arg2: memref<64x2048xf32, #tpu.memory_space<vmem>>, %arg3: memref<1x64xf32, #tpu.memory_space<vmem>>, %arg4: memref<4x64xf32, #tpu.memory_space<vmem>>, %arg5: memref<4x8xi32, #tpu.memory_space<vmem>>) attributes {dimension_semantics = [], scalar_prefetch = 0 : i64, scratch_operands = 0 : i64, tpu.core_type = #tpu.core_type<tc>} {
    %get3A = arith.constant 0 : index
    %get3A_0 = arith.constant 0 : index
    %get3A_1 = vector.load %arg0[%get3A, %get3A_0] : memref<4x2048xf32, #tpu.memory_space<vmem>>, vector<4x2048xf32>
    %get3A_2 = arith.constant 0 : index
    %get3A_3 = arith.constant 0 : index
    %get3A_4 = arith.constant 0 : index
    %get3A_5 = vector.load %arg1[%get3A_2, %get3A_3, %get3A_4] : memref<4x8x2048xf32, #tpu.memory_space<vmem>>, vector<4x8x2048xf32>
    %reduce_sum3A = arith.constant dense<0.000000e+00> : vector<4x2048xf32>
    %reduce_sum3A_6 = vector.multi_reduction <add>, %get3A_5, %reduce_sum3A [1] : vector<4x8x2048xf32> to vector<4x2048xf32>
    %add3A = arith.addf %get3A_1, %reduce_sum3A_6 : vector<4x2048xf32>
    %mul3A = arith.constant 1.22070313E-4 : f32
    %mul3A_7 = vector.broadcast %mul3A : f32 to vector<4x2048xf32>
    %mul3A_8 = arith.mulf %add3A, %mul3A_7 : vector<4x2048xf32>
    %convert_element_type3A = arith.truncf %mul3A_8 : vector<4x2048xf32> to vector<4x2048xbf16>
    %get3A_9 = arith.constant 0 : index
    %get3A_10 = arith.constant 0 : index
    %get3A_11 = vector.load %arg2[%get3A_9, %get3A_10] : memref<64x2048xf32, #tpu.memory_space<vmem>>, vector<64x2048xf32>
    %convert_element_type3A_12 = arith.truncf %get3A_11 : vector<64x2048xf32> to vector<64x2048xbf16>
    %dot_general3A = arith.constant dense<0.000000e+00> : vector<4x64xf32>
    %dot_general3A_13 = tpu.matmul %convert_element_type3A, %convert_element_type3A_12, %dot_general3A {dimension_numbers = #tpu.dot_dimension_numbers<[1], [1], [0], [0], [0, 0, 1, 0], [], []>, transpose_lhs_hint = false} : vector<4x2048xbf16>, vector<64x2048xbf16>, vector<4x64xf32> -> vector<4x64xf32>
    %get3A_14 = arith.constant 0 : index
    %get3A_15 = arith.constant 0 : index
    %get3A_16 = vector.load %arg3[%get3A_14, %get3A_15] : memref<1x64xf32, #tpu.memory_space<vmem>>, vector<1x64xf32>
    %add3A_17 = vector.broadcast %get3A_16 : vector<1x64xf32> to vector<4x64xf32>
    %add3A_18 = arith.addf %dot_general3A_13, %add3A_17 : vector<4x64xf32>
    %iota3A = tpu.iota {dimensions = array<i32: 1>} : vector<4x64xi32>
    %reduce_max3A = arith.constant dense<0xFF800000> : vector<4xf32>
    %reduce_max3A_19 = vector.multi_reduction <maximumf>, %add3A_18, %reduce_max3A [1] : vector<4x64xf32> to vector<4xf32>
    %broadcast_in_dim3A = vector.shape_cast %reduce_max3A_19 : vector<4xf32> to vector<4x1xf32>
    %eq3A = vector.broadcast %broadcast_in_dim3A : vector<4x1xf32> to vector<4x64xf32>
    %eq3A_20 = arith.cmpf oeq, %add3A_18, %eq3A : vector<4x64xf32>
    %jit3A = arith.constant 64 : i32
    %broadcast_in_dim3A_21 = vector.broadcast %jit3A : i32 to vector<4x64xi32>
    %select_n3A = arith.select %eq3A_20, %iota3A, %broadcast_in_dim3A_21 : vector<4x64xi1>, vector<4x64xi32>
    %reduce_min3A = arith.constant dense<2147483647> : vector<4xi32>
    %reduce_min3A_22 = vector.multi_reduction <minsi>, %select_n3A, %reduce_min3A [1] : vector<4x64xi32> to vector<4xi32>
    %broadcast_in_dim3A_23 = vector.shape_cast %reduce_min3A_22 : vector<4xi32> to vector<4x1xi32>
    %eq3A_24 = vector.broadcast %broadcast_in_dim3A_23 : vector<4x1xi32> to vector<4x64xi32>
    %eq3A_25 = arith.cmpi eq, %iota3A, %eq3A_24 : vector<4x64xi32>
    %jit3A_26 = arith.constant 0xFF800000 : f32
    %broadcast_in_dim3A_27 = vector.broadcast %jit3A_26 : f32 to vector<4x64xf32>
    %select_n3A_28 = arith.select %eq3A_25, %broadcast_in_dim3A_27, %add3A_18 : vector<4x64xi1>, vector<4x64xf32>
    %reduce_max3A_29 = arith.constant dense<0xFF800000> : vector<4xf32>
    %reduce_max3A_30 = vector.multi_reduction <maximumf>, %select_n3A_28, %reduce_max3A_29 [1] : vector<4x64xf32> to vector<4xf32>
    %broadcast_in_dim3A_31 = vector.shape_cast %reduce_max3A_30 : vector<4xf32> to vector<4x1xf32>
    %eq3A_32 = vector.broadcast %broadcast_in_dim3A_31 : vector<4x1xf32> to vector<4x64xf32>
    %eq3A_33 = arith.cmpf oeq, %select_n3A_28, %eq3A_32 : vector<4x64xf32>
    %jit3A_34 = arith.constant 64 : i32
    %broadcast_in_dim3A_35 = vector.broadcast %jit3A_34 : i32 to vector<4x64xi32>
    %select_n3A_36 = arith.select %eq3A_33, %iota3A, %broadcast_in_dim3A_35 : vector<4x64xi1>, vector<4x64xi32>
    %reduce_min3A_37 = arith.constant dense<2147483647> : vector<4xi32>
    %reduce_min3A_38 = vector.multi_reduction <minsi>, %select_n3A_36, %reduce_min3A_37 [1] : vector<4x64xi32> to vector<4xi32>
    %broadcast_in_dim3A_39 = vector.shape_cast %reduce_min3A_38 : vector<4xi32> to vector<4x1xi32>
    %eq3A_40 = vector.broadcast %broadcast_in_dim3A_39 : vector<4x1xi32> to vector<4x64xi32>
    %eq3A_41 = arith.cmpi eq, %iota3A, %eq3A_40 : vector<4x64xi32>
    %jit3A_42 = arith.constant 0xFF800000 : f32
    %broadcast_in_dim3A_43 = vector.broadcast %jit3A_42 : f32 to vector<4x64xf32>
    %select_n3A_44 = arith.select %eq3A_41, %broadcast_in_dim3A_43, %select_n3A_28 : vector<4x64xi1>, vector<4x64xf32>
    %reduce_max3A_45 = arith.constant dense<0xFF800000> : vector<4xf32>
    %reduce_max3A_46 = vector.multi_reduction <maximumf>, %select_n3A_44, %reduce_max3A_45 [1] : vector<4x64xf32> to vector<4xf32>
    %broadcast_in_dim3A_47 = vector.shape_cast %reduce_max3A_46 : vector<4xf32> to vector<4x1xf32>
    %eq3A_48 = vector.broadcast %broadcast_in_dim3A_47 : vector<4x1xf32> to vector<4x64xf32>
    %eq3A_49 = arith.cmpf oeq, %select_n3A_44, %eq3A_48 : vector<4x64xf32>
    %jit3A_50 = arith.constant 64 : i32
    %broadcast_in_dim3A_51 = vector.broadcast %jit3A_50 : i32 to vector<4x64xi32>
    %select_n3A_52 = arith.select %eq3A_49, %iota3A, %broadcast_in_dim3A_51 : vector<4x64xi1>, vector<4x64xi32>
    %reduce_min3A_53 = arith.constant dense<2147483647> : vector<4xi32>
    %reduce_min3A_54 = vector.multi_reduction <minsi>, %select_n3A_52, %reduce_min3A_53 [1] : vector<4x64xi32> to vector<4xi32>
    %broadcast_in_dim3A_55 = vector.shape_cast %reduce_min3A_54 : vector<4xi32> to vector<4x1xi32>
    %eq3A_56 = vector.broadcast %broadcast_in_dim3A_55 : vector<4x1xi32> to vector<4x64xi32>
    %eq3A_57 = arith.cmpi eq, %iota3A, %eq3A_56 : vector<4x64xi32>
    %jit3A_58 = arith.constant 0xFF800000 : f32
    %broadcast_in_dim3A_59 = vector.broadcast %jit3A_58 : f32 to vector<4x64xf32>
    %select_n3A_60 = arith.select %eq3A_57, %broadcast_in_dim3A_59, %select_n3A_44 : vector<4x64xi1>, vector<4x64xf32>
    %reduce_max3A_61 = arith.constant dense<0xFF800000> : vector<4xf32>
    %reduce_max3A_62 = vector.multi_reduction <maximumf>, %select_n3A_60, %reduce_max3A_61 [1] : vector<4x64xf32> to vector<4xf32>
    %broadcast_in_dim3A_63 = vector.shape_cast %reduce_max3A_62 : vector<4xf32> to vector<4x1xf32>
    %eq3A_64 = vector.broadcast %broadcast_in_dim3A_63 : vector<4x1xf32> to vector<4x64xf32>
    %eq3A_65 = arith.cmpf oeq, %select_n3A_60, %eq3A_64 : vector<4x64xf32>
    %jit3A_66 = arith.constant 64 : i32
    %broadcast_in_dim3A_67 = vector.broadcast %jit3A_66 : i32 to vector<4x64xi32>
    %select_n3A_68 = arith.select %eq3A_65, %iota3A, %broadcast_in_dim3A_67 : vector<4x64xi1>, vector<4x64xi32>
    %reduce_min3A_69 = arith.constant dense<2147483647> : vector<4xi32>
    %reduce_min3A_70 = vector.multi_reduction <minsi>, %select_n3A_68, %reduce_min3A_69 [1] : vector<4x64xi32> to vector<4xi32>
    %broadcast_in_dim3A_71 = vector.shape_cast %reduce_min3A_70 : vector<4xi32> to vector<4x1xi32>
    %eq3A_72 = vector.broadcast %broadcast_in_dim3A_71 : vector<4x1xi32> to vector<4x64xi32>
    %eq3A_73 = arith.cmpi eq, %iota3A, %eq3A_72 : vector<4x64xi32>
    %jit3A_74 = arith.constant 0xFF800000 : f32
    %broadcast_in_dim3A_75 = vector.broadcast %jit3A_74 : f32 to vector<4x64xf32>
    %select_n3A_76 = arith.select %eq3A_73, %broadcast_in_dim3A_75, %select_n3A_60 : vector<4x64xi1>, vector<4x64xf32>
    %reduce_max3A_77 = arith.constant dense<0xFF800000> : vector<4xf32>
    %reduce_max3A_78 = vector.multi_reduction <maximumf>, %select_n3A_76, %reduce_max3A_77 [1] : vector<4x64xf32> to vector<4xf32>
    %broadcast_in_dim3A_79 = vector.shape_cast %reduce_max3A_78 : vector<4xf32> to vector<4x1xf32>
    %eq3A_80 = vector.broadcast %broadcast_in_dim3A_79 : vector<4x1xf32> to vector<4x64xf32>
    %eq3A_81 = arith.cmpf oeq, %select_n3A_76, %eq3A_80 : vector<4x64xf32>
    %jit3A_82 = arith.constant 64 : i32
    %broadcast_in_dim3A_83 = vector.broadcast %jit3A_82 : i32 to vector<4x64xi32>
    %select_n3A_84 = arith.select %eq3A_81, %iota3A, %broadcast_in_dim3A_83 : vector<4x64xi1>, vector<4x64xi32>
    %reduce_min3A_85 = arith.constant dense<2147483647> : vector<4xi32>
    %reduce_min3A_86 = vector.multi_reduction <minsi>, %select_n3A_84, %reduce_min3A_85 [1] : vector<4x64xi32> to vector<4xi32>
    %broadcast_in_dim3A_87 = vector.shape_cast %reduce_min3A_86 : vector<4xi32> to vector<4x1xi32>
    %eq3A_88 = vector.broadcast %broadcast_in_dim3A_87 : vector<4x1xi32> to vector<4x64xi32>
    %eq3A_89 = arith.cmpi eq, %iota3A, %eq3A_88 : vector<4x64xi32>
    %jit3A_90 = arith.constant 0xFF800000 : f32
    %broadcast_in_dim3A_91 = vector.broadcast %jit3A_90 : f32 to vector<4x64xf32>
    %select_n3A_92 = arith.select %eq3A_89, %broadcast_in_dim3A_91, %select_n3A_76 : vector<4x64xi1>, vector<4x64xf32>
    %reduce_max3A_93 = arith.constant dense<0xFF800000> : vector<4xf32>
    %reduce_max3A_94 = vector.multi_reduction <maximumf>, %select_n3A_92, %reduce_max3A_93 [1] : vector<4x64xf32> to vector<4xf32>
    %broadcast_in_dim3A_95 = vector.shape_cast %reduce_max3A_94 : vector<4xf32> to vector<4x1xf32>
    %eq3A_96 = vector.broadcast %broadcast_in_dim3A_95 : vector<4x1xf32> to vector<4x64xf32>
    %eq3A_97 = arith.cmpf oeq, %select_n3A_92, %eq3A_96 : vector<4x64xf32>
    %jit3A_98 = arith.constant 64 : i32
    %broadcast_in_dim3A_99 = vector.broadcast %jit3A_98 : i32 to vector<4x64xi32>
    %select_n3A_100 = arith.select %eq3A_97, %iota3A, %broadcast_in_dim3A_99 : vector<4x64xi1>, vector<4x64xi32>
    %reduce_min3A_101 = arith.constant dense<2147483647> : vector<4xi32>
    %reduce_min3A_102 = vector.multi_reduction <minsi>, %select_n3A_100, %reduce_min3A_101 [1] : vector<4x64xi32> to vector<4xi32>
    %broadcast_in_dim3A_103 = vector.shape_cast %reduce_min3A_102 : vector<4xi32> to vector<4x1xi32>
    %eq3A_104 = vector.broadcast %broadcast_in_dim3A_103 : vector<4x1xi32> to vector<4x64xi32>
    %eq3A_105 = arith.cmpi eq, %iota3A, %eq3A_104 : vector<4x64xi32>
    %jit3A_106 = arith.constant 0xFF800000 : f32
    %broadcast_in_dim3A_107 = vector.broadcast %jit3A_106 : f32 to vector<4x64xf32>
    %select_n3A_108 = arith.select %eq3A_105, %broadcast_in_dim3A_107, %select_n3A_92 : vector<4x64xi1>, vector<4x64xf32>
    %reduce_max3A_109 = arith.constant dense<0xFF800000> : vector<4xf32>
    %reduce_max3A_110 = vector.multi_reduction <maximumf>, %select_n3A_108, %reduce_max3A_109 [1] : vector<4x64xf32> to vector<4xf32>
    %broadcast_in_dim3A_111 = vector.shape_cast %reduce_max3A_110 : vector<4xf32> to vector<4x1xf32>
    %eq3A_112 = vector.broadcast %broadcast_in_dim3A_111 : vector<4x1xf32> to vector<4x64xf32>
    %eq3A_113 = arith.cmpf oeq, %select_n3A_108, %eq3A_112 : vector<4x64xf32>
    %jit3A_114 = arith.constant 64 : i32
    %broadcast_in_dim3A_115 = vector.broadcast %jit3A_114 : i32 to vector<4x64xi32>
    %select_n3A_116 = arith.select %eq3A_113, %iota3A, %broadcast_in_dim3A_115 : vector<4x64xi1>, vector<4x64xi32>
    %reduce_min3A_117 = arith.constant dense<2147483647> : vector<4xi32>
    %reduce_min3A_118 = vector.multi_reduction <minsi>, %select_n3A_116, %reduce_min3A_117 [1] : vector<4x64xi32> to vector<4xi32>
    %broadcast_in_dim3A_119 = vector.shape_cast %reduce_min3A_118 : vector<4xi32> to vector<4x1xi32>
    %eq3A_120 = vector.broadcast %broadcast_in_dim3A_119 : vector<4x1xi32> to vector<4x64xi32>
    %eq3A_121 = arith.cmpi eq, %iota3A, %eq3A_120 : vector<4x64xi32>
    %jit3A_122 = arith.constant 0xFF800000 : f32
    %broadcast_in_dim3A_123 = vector.broadcast %jit3A_122 : f32 to vector<4x64xf32>
    %select_n3A_124 = arith.select %eq3A_121, %broadcast_in_dim3A_123, %select_n3A_108 : vector<4x64xi1>, vector<4x64xf32>
    %reduce_max3A_125 = arith.constant dense<0xFF800000> : vector<4xf32>
    %reduce_max3A_126 = vector.multi_reduction <maximumf>, %select_n3A_124, %reduce_max3A_125 [1] : vector<4x64xf32> to vector<4xf32>
    %broadcast_in_dim3A_127 = vector.shape_cast %reduce_max3A_126 : vector<4xf32> to vector<4x1xf32>
    %eq3A_128 = vector.broadcast %broadcast_in_dim3A_127 : vector<4x1xf32> to vector<4x64xf32>
    %eq3A_129 = arith.cmpf oeq, %select_n3A_124, %eq3A_128 : vector<4x64xf32>
    %jit3A_130 = arith.constant 64 : i32
    %broadcast_in_dim3A_131 = vector.broadcast %jit3A_130 : i32 to vector<4x64xi32>
    %select_n3A_132 = arith.select %eq3A_129, %iota3A, %broadcast_in_dim3A_131 : vector<4x64xi1>, vector<4x64xi32>
    %reduce_min3A_133 = arith.constant dense<2147483647> : vector<4xi32>
    %reduce_min3A_134 = vector.multi_reduction <minsi>, %select_n3A_132, %reduce_min3A_133 [1] : vector<4x64xi32> to vector<4xi32>
    %broadcast_in_dim3A_135 = vector.shape_cast %reduce_min3A_134 : vector<4xi32> to vector<4x1xi32>
    %concatenate3A = tpu.concatenate %broadcast_in_dim3A, %broadcast_in_dim3A_31, %broadcast_in_dim3A_47, %broadcast_in_dim3A_63, %broadcast_in_dim3A_79, %broadcast_in_dim3A_95, %broadcast_in_dim3A_111, %broadcast_in_dim3A_127 in 1 : vector<4x1xf32>, vector<4x1xf32>, vector<4x1xf32>, vector<4x1xf32>, vector<4x1xf32>, vector<4x1xf32>, vector<4x1xf32>, vector<4x1xf32> -> vector<4x8xf32>
    %slice3A = vector.extract_strided_slice %concatenate3A {offsets = [0, 0], sizes = [4, 1], strides = [1, 1]} : vector<4x8xf32> to vector<4x1xf32>
    %sub3A = vector.broadcast %slice3A : vector<4x1xf32> to vector<4x8xf32>
    %sub3A_136 = arith.subf %concatenate3A, %sub3A : vector<4x8xf32>
    %exp3A = math.exp %sub3A_136 : vector<4x8xf32>
    %reduce_sum3A_137 = arith.constant dense<0.000000e+00> : vector<4xf32>
    %reduce_sum3A_138 = vector.multi_reduction <add>, %exp3A, %reduce_sum3A_137 [1] : vector<4x8xf32> to vector<4xf32>
    %broadcast_in_dim3A_139 = vector.shape_cast %reduce_sum3A_138 : vector<4xf32> to vector<4x1xf32>
    %div3A = vector.broadcast %broadcast_in_dim3A_139 : vector<4x1xf32> to vector<4x8xf32>
    %div3A_140 = arith.divf %exp3A, %div3A : vector<4x8xf32>
    %broadcast_in_dim3A_141 = arith.constant 0.000000e+00 : f32
    %broadcast_in_dim3A_142 = vector.broadcast %broadcast_in_dim3A_141 : f32 to vector<4x64xf32>
    %eq3A_143 = vector.broadcast %broadcast_in_dim3A_23 : vector<4x1xi32> to vector<4x64xi32>
    %eq3A_144 = arith.cmpi eq, %iota3A, %eq3A_143 : vector<4x64xi32>
    %slice3A_145 = vector.extract_strided_slice %div3A_140 {offsets = [0, 0], sizes = [4, 1], strides = [1, 1]} : vector<4x8xf32> to vector<4x1xf32>
    %jit3A_146 = arith.constant 0.000000e+00 : f32
    %broadcast_in_dim3A_147 = vector.shape_cast %slice3A_145 : vector<4x1xf32> to vector<4x1xf32>
    %broadcast_in_dim3A_148 = vector.broadcast %broadcast_in_dim3A_147 : vector<4x1xf32> to vector<4x64xf32>
    %broadcast_in_dim3A_149 = vector.broadcast %jit3A_146 : f32 to vector<4x64xf32>
    %select_n3A_150 = arith.select %eq3A_144, %broadcast_in_dim3A_148, %broadcast_in_dim3A_149 : vector<4x64xi1>, vector<4x64xf32>
    %add3A_151 = arith.addf %broadcast_in_dim3A_142, %select_n3A_150 : vector<4x64xf32>
    %eq3A_152 = vector.broadcast %broadcast_in_dim3A_39 : vector<4x1xi32> to vector<4x64xi32>
    %eq3A_153 = arith.cmpi eq, %iota3A, %eq3A_152 : vector<4x64xi32>
    %slice3A_154 = vector.extract_strided_slice %div3A_140 {offsets = [0, 1], sizes = [4, 1], strides = [1, 1]} : vector<4x8xf32> to vector<4x1xf32>
    %jit3A_155 = arith.constant 0.000000e+00 : f32
    %broadcast_in_dim3A_156 = vector.shape_cast %slice3A_154 : vector<4x1xf32> to vector<4x1xf32>
    %broadcast_in_dim3A_157 = vector.broadcast %broadcast_in_dim3A_156 : vector<4x1xf32> to vector<4x64xf32>
    %broadcast_in_dim3A_158 = vector.broadcast %jit3A_155 : f32 to vector<4x64xf32>
    %select_n3A_159 = arith.select %eq3A_153, %broadcast_in_dim3A_157, %broadcast_in_dim3A_158 : vector<4x64xi1>, vector<4x64xf32>
    %add3A_160 = arith.addf %add3A_151, %select_n3A_159 : vector<4x64xf32>
    %eq3A_161 = vector.broadcast %broadcast_in_dim3A_55 : vector<4x1xi32> to vector<4x64xi32>
    %eq3A_162 = arith.cmpi eq, %iota3A, %eq3A_161 : vector<4x64xi32>
    %slice3A_163 = vector.extract_strided_slice %div3A_140 {offsets = [0, 2], sizes = [4, 1], strides = [1, 1]} : vector<4x8xf32> to vector<4x1xf32>
    %jit3A_164 = arith.constant 0.000000e+00 : f32
    %broadcast_in_dim3A_165 = vector.shape_cast %slice3A_163 : vector<4x1xf32> to vector<4x1xf32>
    %broadcast_in_dim3A_166 = vector.broadcast %broadcast_in_dim3A_165 : vector<4x1xf32> to vector<4x64xf32>
    %broadcast_in_dim3A_167 = vector.broadcast %jit3A_164 : f32 to vector<4x64xf32>
    %select_n3A_168 = arith.select %eq3A_162, %broadcast_in_dim3A_166, %broadcast_in_dim3A_167 : vector<4x64xi1>, vector<4x64xf32>
    %add3A_169 = arith.addf %add3A_160, %select_n3A_168 : vector<4x64xf32>
    %eq3A_170 = vector.broadcast %broadcast_in_dim3A_71 : vector<4x1xi32> to vector<4x64xi32>
    %eq3A_171 = arith.cmpi eq, %iota3A, %eq3A_170 : vector<4x64xi32>
    %slice3A_172 = vector.extract_strided_slice %div3A_140 {offsets = [0, 3], sizes = [4, 1], strides = [1, 1]} : vector<4x8xf32> to vector<4x1xf32>
    %jit3A_173 = arith.constant 0.000000e+00 : f32
    %broadcast_in_dim3A_174 = vector.shape_cast %slice3A_172 : vector<4x1xf32> to vector<4x1xf32>
    %broadcast_in_dim3A_175 = vector.broadcast %broadcast_in_dim3A_174 : vector<4x1xf32> to vector<4x64xf32>
    %broadcast_in_dim3A_176 = vector.broadcast %jit3A_173 : f32 to vector<4x64xf32>
    %select_n3A_177 = arith.select %eq3A_171, %broadcast_in_dim3A_175, %broadcast_in_dim3A_176 : vector<4x64xi1>, vector<4x64xf32>
    %add3A_178 = arith.addf %add3A_169, %select_n3A_177 : vector<4x64xf32>
    %eq3A_179 = vector.broadcast %broadcast_in_dim3A_87 : vector<4x1xi32> to vector<4x64xi32>
    %eq3A_180 = arith.cmpi eq, %iota3A, %eq3A_179 : vector<4x64xi32>
    %slice3A_181 = vector.extract_strided_slice %div3A_140 {offsets = [0, 4], sizes = [4, 1], strides = [1, 1]} : vector<4x8xf32> to vector<4x1xf32>
    %jit3A_182 = arith.constant 0.000000e+00 : f32
    %broadcast_in_dim3A_183 = vector.shape_cast %slice3A_181 : vector<4x1xf32> to vector<4x1xf32>
    %broadcast_in_dim3A_184 = vector.broadcast %broadcast_in_dim3A_183 : vector<4x1xf32> to vector<4x64xf32>
    %broadcast_in_dim3A_185 = vector.broadcast %jit3A_182 : f32 to vector<4x64xf32>
    %select_n3A_186 = arith.select %eq3A_180, %broadcast_in_dim3A_184, %broadcast_in_dim3A_185 : vector<4x64xi1>, vector<4x64xf32>
    %add3A_187 = arith.addf %add3A_178, %select_n3A_186 : vector<4x64xf32>
    %eq3A_188 = vector.broadcast %broadcast_in_dim3A_103 : vector<4x1xi32> to vector<4x64xi32>
    %eq3A_189 = arith.cmpi eq, %iota3A, %eq3A_188 : vector<4x64xi32>
    %slice3A_190 = vector.extract_strided_slice %div3A_140 {offsets = [0, 5], sizes = [4, 1], strides = [1, 1]} : vector<4x8xf32> to vector<4x1xf32>
    %jit3A_191 = arith.constant 0.000000e+00 : f32
    %broadcast_in_dim3A_192 = vector.shape_cast %slice3A_190 : vector<4x1xf32> to vector<4x1xf32>
    %broadcast_in_dim3A_193 = vector.broadcast %broadcast_in_dim3A_192 : vector<4x1xf32> to vector<4x64xf32>
    %broadcast_in_dim3A_194 = vector.broadcast %jit3A_191 : f32 to vector<4x64xf32>
    %select_n3A_195 = arith.select %eq3A_189, %broadcast_in_dim3A_193, %broadcast_in_dim3A_194 : vector<4x64xi1>, vector<4x64xf32>
    %add3A_196 = arith.addf %add3A_187, %select_n3A_195 : vector<4x64xf32>
    %eq3A_197 = vector.broadcast %broadcast_in_dim3A_119 : vector<4x1xi32> to vector<4x64xi32>
    %eq3A_198 = arith.cmpi eq, %iota3A, %eq3A_197 : vector<4x64xi32>
    %slice3A_199 = vector.extract_strided_slice %div3A_140 {offsets = [0, 6], sizes = [4, 1], strides = [1, 1]} : vector<4x8xf32> to vector<4x1xf32>
    %jit3A_200 = arith.constant 0.000000e+00 : f32
    %broadcast_in_dim3A_201 = vector.shape_cast %slice3A_199 : vector<4x1xf32> to vector<4x1xf32>
    %broadcast_in_dim3A_202 = vector.broadcast %broadcast_in_dim3A_201 : vector<4x1xf32> to vector<4x64xf32>
    %broadcast_in_dim3A_203 = vector.broadcast %jit3A_200 : f32 to vector<4x64xf32>
    %select_n3A_204 = arith.select %eq3A_198, %broadcast_in_dim3A_202, %broadcast_in_dim3A_203 : vector<4x64xi1>, vector<4x64xf32>
    %add3A_205 = arith.addf %add3A_196, %select_n3A_204 : vector<4x64xf32>
    %eq3A_206 = vector.broadcast %broadcast_in_dim3A_135 : vector<4x1xi32> to vector<4x64xi32>
    %eq3A_207 = arith.cmpi eq, %iota3A, %eq3A_206 : vector<4x64xi32>
    %slice3A_208 = vector.extract_strided_slice %div3A_140 {offsets = [0, 7], sizes = [4, 1], strides = [1, 1]} : vector<4x8xf32> to vector<4x1xf32>
    %jit3A_209 = arith.constant 0.000000e+00 : f32
    %broadcast_in_dim3A_210 = vector.shape_cast %slice3A_208 : vector<4x1xf32> to vector<4x1xf32>
    %broadcast_in_dim3A_211 = vector.broadcast %broadcast_in_dim3A_210 : vector<4x1xf32> to vector<4x64xf32>
    %broadcast_in_dim3A_212 = vector.broadcast %jit3A_209 : f32 to vector<4x64xf32>
    %select_n3A_213 = arith.select %eq3A_207, %broadcast_in_dim3A_211, %broadcast_in_dim3A_212 : vector<4x64xi1>, vector<4x64xf32>
    %add3A_214 = arith.addf %add3A_205, %select_n3A_213 : vector<4x64xf32>
    %swap3A = arith.constant 0 : index
    %swap3A_215 = arith.constant 0 : index
    %swap3A_216 = vector.load %arg4[%swap3A, %swap3A_215] : memref<4x64xf32, #tpu.memory_space<vmem>>, vector<4x64xf32>
    tpu.vector_store %arg4[%swap3A, %swap3A_215], %add3A_214 {strides = array<i32>} : memref<4x64xf32, #tpu.memory_space<vmem>>, vector<4x64xf32>,
    %concatenate3A_217 = tpu.concatenate %broadcast_in_dim3A_23, %broadcast_in_dim3A_39, %broadcast_in_dim3A_55, %broadcast_in_dim3A_71, %broadcast_in_dim3A_87, %broadcast_in_dim3A_103, %broadcast_in_dim3A_119, %broadcast_in_dim3A_135 in 1 : vector<4x1xi32>, vector<4x1xi32>, vector<4x1xi32>, vector<4x1xi32>, vector<4x1xi32>, vector<4x1xi32>, vector<4x1xi32>, vector<4x1xi32> -> vector<4x8xi32>
    %swap3A_218 = arith.constant 0 : index
    %swap3A_219 = arith.constant 0 : index
    %swap3A_220 = vector.load %arg5[%swap3A_218, %swap3A_219] : memref<4x8xi32, #tpu.memory_space<vmem>>, vector<4x8xi32>
    tpu.vector_store %arg5[%swap3A_218, %swap3A_219], %concatenate3A_217 {strides = array<i32>} : memref<4x8xi32, #tpu.memory_space<vmem>>, vector<4x8xi32>,
    return
  }
}

</mosaic_0001>

<sc_bundles>
// kernel: kernel.5.cloned.1.call-start
scs
__scs_entry_jumppad:
0x0: {  	(pc) =	sbr.rel $0x88, $3  }
0x1: {  	(tag) =	ssettag $0x0;
	lr =	simm.s32 $0x1  }
0x2: {  	[smem:$0x3F9E] =	sst lr;
	_ =	strace $0xD0000000  }
0x3: {  	_ = 	snop  }
0x4: {  	_ = 	snop  }
0x5: {  	_ = 	snop  }
0x6: {  	_ = 	snop  }
0x7: {  	_ = 	snop  }
__scs_overlays_trampoline_lowered:
0x8: {  	[smem:$0x3FAD] =	sst s0  }
0x9: {  	[smem:$0x3FAE] =	sst s1  }
0xa: {  	[smem:$0x3FAF] =	sst s2  }
0xb: {  	[smem:$0x3FB0] =	sst s3  }
0xc: {  	[smem:$0x3FB1] =	sst s4  }
0xd: {  	[smem:$0x3FB2] =	sst s5  }
0xe: {  	[smem:$0x3FB3] =	sst s6  }
0xf: {  	[smem:$0x3FB4] =	sst s7  }
0x10: {  	[smem:$0x3FB5] =	sst s8  }
0x11: {  	[smem:$0x3FB6] =	sst s9;
	s0 =	simm.s32 @!p0 $0x0  }
0x12: {  	s1 =	sld [smem:$0x3F9C];
	s0 =	simm.s32 @p0 $0x1  }
0x13: {  	[smem:$0x3FB7] =	sst s0;
	s0 =	simm.s32 @!p1 $0x0  }
0x14: {  	s2 =	sld [smem:$0x3F9B];
	s0 =	simm.s32 @p1 $0x1  }
0x15: {  	[smem:$0x3FB8] =	sst s0;
	s0 =	simm.s32 @!p2 $0x0  }
0x16: {  	s3 =	sld [smem:$0x3FDB];
	s0 =	simm.s32 @p2 $0x1  }
0x17: {  	s4 =	simm.s32 $0x1BF5;
	[smem:$0x3FBA] =	sst s0  }
0x18: {  	s0 =	sld [smem:$0x3F9D];
	_ =	swait.ge [sflag:s4], $0x0  }
0x19: {  	s7 =	sld [smem:$0x3F9E]  }
0x1a: {  	s8 =	sadd.s32 $0xFFFFE003, lr  }
0x1b: {  	s9 =	sadd.s32 $0xFFFFFEF7, lr;
	s5 =	simm.s32 $0xFFFFFFFF;
	p2 =	slt.u32 s8, $0xFFFFF086  }
0x1c: {  	p1 =	slt.u32 s9, $0xF7A;
	s5 =	simm.s32 @!p2 $0x0  }
0x1d: {  	s5 =	simm.s32 @p1 $0x1;
	p0 =	seq.s32 s7, s2  }
0x1e: {  	s7 =	smul.u32 @!p0 $0xF7A, s2;
	p2 =	seq.s32 @!p0 s5, $0x0  }
0x1f: {  	s9 =	smul.u32 $0xF7A, s1;
	s8 =	simm.s32 @!p0 $0x1BF5;
	p2 =	por !p2, p0  }
0x20: {  	[sflag:s8] =	ssyncset.s32 @!p0 $0xFFFFF086;
	s6 =	sadd.s32 @!p0 s3, s7;
	s7 =	simm.s32 @!p0 $0x108  }
0x21: {  	s3 =	sadd.s32 s3, s9;
	s6 =	sadd.s32 @!p0 $0x88, s6;
	s7 =	simm.s32 @p2 $0x1082  }
0x22: {  	[simem:s7], [sflag:s8] =	dma.local @!p0 [hbm:s6], $0xF7A  }
0x23: {  	s9 =	sor.u32 $0xD0000000, s2;
	s6 =	simm.s32 $0x108;
	_ =	swait.ge @!p0 [sflag:s8], $0x0  }
0x24: {  	s3 =	sadd.s32 $0x88, s3;
	s6 =	simm.s32 @!p1 $0x1082;
	[sflag:s4] =	ssyncset.s32 $0xFFFFF086  }
0x25: {  	[simem:s6], [sflag:s4] =	dma.local [hbm:s3], $0xF7A  }
0x26: {  	[smem:$0x3F9E] =	sst s1;
	(tag) =	ssettag s2;
	_ =	strace s9  }
0x27: {  	s1 =	sld [smem:$0x3FAE]  }
0x28: {  	s2 =	sld [smem:$0x3FAF]  }
0x29: {  	s4 =	sld [smem:$0x3FB1]  }
0x2a: {  	p0 =	seq.s32 s5, $0x0;
	s5 =	sld [smem:$0x3FB2]  }
0x2b: {  	s6 =	sld [smem:$0x3FB3]  }
0x2c: {  	s7 =	sld [smem:$0x3FB4]  }
0x2d: {  	s3 =	simm.s32 $0x108;
	s8 =	sld [smem:$0x3FB5]  }
0x2e: {  	s3 =	simm.s32 @!p0 $0x1082;
	s9 =	sld [smem:$0x3FB6]  }
0x2f: {  	lr =	sadd.s32 s0, s3;
	s0 =	sld [smem:$0x3FAD]  }
0x30: {  	s3 =	sld [smem:$0x3FB0]  }
0x31: {  	[smem:$0x3FB9] =	sst s10  }
0x32: {  	s10 =	sld [smem:$0x3FB7];
	_ =	sdelay $0x3  }
0x33: {  	p0 =	seq.s32 s10, $0x1;
	s10 =	sld [smem:$0x3FB9];
	_ =	sdelay $0x3  }
0x34: {  	[smem:$0x3FB9] =	sst s10  }
0x35: {  	s10 =	sld [smem:$0x3FB8];
	_ =	sdelay $0x3  }
0x36: {  	p1 =	seq.s32 s10, $0x1;
	s10 =	sld [smem:$0x3FB9];
	_ =	sdelay $0x3  }
0x37: {  	[smem:$0x3FB9] =	sst s10  }
0x38: {  	s10 =	sld [smem:$0x3FBA]  }
0x39: {  	_ = 	snop;
	(pc) =	sbr.ind lr, $3  }
0x3a: {  	_ = 	snop  }
0x3b: {  	_ = 	snop  }
0x3c: {  	p2 =	seq.s32 s10, $0x1;
	s10 =	sld [smem:$0x3FB9]  }
0x3d: {  	_ =	shalt  }
0x3e: {  	_ =	shalt  }
0x3f: {  	_ =	shalt  }
0x40: {  	_ =	shalt  }
0x41: {  	_ =	shalt  }
0x42: {  	_ =	shalt  }
0x43: {  	_ =	shalt  }
0x44: {  	_ =	shalt  }
0x45: {  	_ =	shalt  }
0x46: {  	_ =	shalt  }
0x47: {  	_ =	shalt  }
0x48: {  	_ =	shalt  }
0x49: {  	_ =	shalt  }
0x4a: {  	_ =	shalt  }
0x4b: {  	_ =	shalt  }
0x4c: {  	_ =	shalt  }
0x4d: {  	_ =	shalt  }
0x4e: {  	_ =	shalt  }
0x4f: {  	_ =	shalt  }
0x50: {  	_ =	shalt  }
0x51: {  	_ =	shalt  }
0x52: {  	_ =	shalt  }
0x53: {  	_ =	shalt  }
0x54: {  	_ =	shalt  }
0x55: {  	_ =	shalt  }
0x56: {  	_ =	shalt  }
0x57: {  	_ =	shalt  }
0x58: {  	_ =	shalt  }
0x59: {  	_ =	shalt  }
0x5a: {  	_ =	shalt  }
0x5b: {  	_ =	shalt  }
0x5c: {  	_ =	shalt  }
0x5d: {  	_ =	shalt  }
0x5e: {  	_ =	shalt  }
0x5f: {  	_ =	shalt  }
0x60: {  	_ =	shalt  }
0x61: {  	_ =	shalt  }
0x62: {  	_ =	shalt  }
0x63: {  	_ =	shalt  }
0x64: {  	_ =	shalt  }
0x65: {  	_ =	shalt  }
0x66: {  	_ =	shalt  }
0x67: {  	_ =	shalt  }
0x68: {  	_ =	shalt  }
0x69: {  	_ =	shalt  }
0x6a: {  	_ =	shalt  }
0x6b: {  	_ =	shalt  }
0x6c: {  	_ =	shalt  }
0x6d: {  	_ =	shalt  }
0x6e: {  	_ =	shalt  }
0x6f: {  	_ =	shalt  }
0x70: {  	_ =	shalt  }
0x71: {  	_ =	shalt  }
0x72: {  	_ =	shalt  }
0x73: {  	_ =	shalt  }
0x74: {  	_ =	shalt  }
0x75: {  	_ =	shalt  }
0x76: {  	_ =	shalt  }
0x77: {  	_ =	shalt  }
0x78: {  	_ =	shalt  }
0x79: {  	_ =	shalt  }
0x7a: {  	_ =	shalt  }
0x7b: {  	_ =	shalt  }
0x7c: {  	_ =	shalt  }
0x7d: {  	_ =	shalt  }
0x7e: {  	_ =	shalt  }
0x7f: {  	_ =	shalt  }
0x80: {  	_ =	shalt  }
0x81: {  	_ =	shalt  }
0x82: {  	_ =	shalt  }
0x83: {  	_ =	shalt  }
0x84: {  	_ =	shalt  }
0x85: {  	_ =	shalt  }
0x86: {  	_ =	shalt  }
0x87: {  	_ =	shalt  }
.Lfunc_end0:
.L_simem_size_0:
called_computation_lowered:
.L_overlay_start_0:
0x88: {  	s2 =	sld [smem:$0x3FD9]  }
0x89: {  	s3 =	sld [smem:$0x3FFE];
	_ =	sdelay $0x1  }
0x8a: {  	s1 =	srdreg.scid  }
0x8b: {  	s0 =	sand.u32 $0x1, s1  }
0x8c: {  	s17 =	sshll.u32 s0, $0xA;
	s2 =	sadd.s32 s3, s2  }
0x8d: {  	s2 =	sadd.s32 s2, s17  }
0x8e: {  	[smem:$0x3FC5] =	sst s2  }
0x8f: {  	_ = 	snop  }
0x90: {  	s2 =	sld [smem:$0x3FC9];
	(tm) =	ssettm $0x1  }
0x91: {  	s18 =	sld [smem:$0x3FFB];
	_ =	sdelay $0x3  }
0x92: {  	_ =	strace s18  }
0x93: {  	s3 =	sld [smem:$0x3FFC];
	_ =	sdelay $0x3  }
0x94: {  	_ =	strace s3  }
0x95: {  	s3 =	sld [smem:$0x3FFD];
	_ =	sdelay $0x3  }
0x96: {  	_ =	strace s3  }
0x97: {  	_ =	strace $0x8FFFFFFF  }
0x98: {  	s19 =	sld [smem:$0x3FDB];
	_ =	sdelay $0x1  }
0x99: {  	s4 =	simm.s32 $_scs_section_size  }
0x9a: {  	s5 =	simm.s32 $_size__tile_overlayer_lowered;
	s6 =	simm.s32 $_tile_overlayer_lowered  }
0x9b: {  	s22 =	simm.s32 $0x1BFF;
	s21 =	sshll.u32 s6, $0x1;
	s3 =	sadd.s32 s4, s19  }
0x9c: {  	s7 =	simm.s32 $0x0;
	s20 =	sshll.u32 s5, $0x1;
	s5 =	sadd.s32 s21, s3  }
0x9d: {  	[timem:s7], [sflag:s22] =	dma.local [hbm:s5], s20  }
0x9e: {  	_ =	swait.ge [sflag:s22], s20  }
0x9f: {  	s4 =	ssub.s32 $0x0, s20;
	[sflag:s22] =	ssyncset.done $0x0  }
0xa0: {  	[sflag:s22] =	ssyncadd.s32 s4;
	_ =	sdelay $0x1  }
0xa1: {  	s23 =	simm.s32 $0x1B8B  }
0xa2: {  	_ =	swait.ge [sflag:s23], $0x1  }
0xa3: {  	[sflag:s23] =	ssyncset.done $0x0  }
0xa4: {  	s25 =	simm.s32 $0x1B8E;
	s24 =	sld [smem:$0x3FFE];
	[sflag:s23] =	ssyncadd.s32 $0xFFFFFFFF  }
0xa5: {  	s26 =	simm.s32 $execute0_lowered;
	[smem:$0x3FD2] =	sst s25  }
0xa6: {  	s5 =	sshll.u32 s26, $0x1;
	_ =	strace $0x80000046;
	[dreg:$0x1] =	wrdreg $0xFFFFFFFF  }
0xa7: {  	s28 =	simm.s32 $_size_execute0_lowered;
	s3 =	sadd.s32 s3, s5;
	[dreg:$0x0] =	wrdreg $0x0  }
0xa8: {  	s5 =	sshll.u32 s28, $0x1;
	[dreg:$0x2] =	wrdreg s3  }
0xa9: {  	[dreg:$0x3] =	wrdreg s5  }
0xaa: {  	[dreg:$0x4] =	wrdreg $0xC0  }
0xab: {  	_ =	task [dreg:s7], $0x5FFFF  }
0xac: {  	[dreg:$0x1] =	wrdreg $0xFFFFFFFF  }
0xad: {  	[dreg:$0x0] =	wrdreg $0x60  }
0xae: {  	[dreg:$0x2] =	wrdreg s2  }
0xaf: {  	[dreg:$0x3] =	wrdreg s24  }
0xb0: {  	[dreg:$0x4] =	wrdreg $0x9  }
0xb1: {  	_ =	task.clear_ibuf [dreg:s7], $0x5FFFF;
	_ =	strace $0x90000046  }
0xb2: {  	s29 =	simm.s32 $0x9;
	_ =	strace $0x80000048  }
0xb3: {  	_ =	swait.ge [sflag:s29], $0x1  }
0xb4: {  	[sflag:s29] =	ssyncadd.s32 $0xFFFFFFFF  }
0xb5: {  	_ =	strace $0x90000048  }
0xb6: {  	_ =	sfence  }
0xb7: {  	s30 =	sld [smem:$0x0];
	_ =	sdelay $0x2  }
0xb8: {  	s31 =	sshll.u32 s1, $0xD;
	s1 =	sshrl.u32 s1, $0x2  }
0xb9: {  	s3 =	sand.u32 $0x4000, s31;
	s1 =	sadd.s32 s1, s30  }
0xba: {  	s0 =	sor.u32 s3, s0;
	s1 =	sshll.u32 s1, $0x11  }
0xbb: {  	s0 =	sor.u32 s1, s0  }
0xbc: {  	s0 =	sadd.s32 $0x8F2B, s0  }
0xbd: {  	[sflag:s0] =	ssyncadd.remote.s32 $0x1  }
0xbe: {  	_ =	sfence.sel $0xFFFF  }
0xbf: {  	[dreg:$0x0] =	wrdreg $0xFFFFFFFF;
	(pc) =	sbr.abs _section_cstart, $3  }
0xc0: {  	[dreg:$0x1] =	wrdreg $0xFFFFFFFF  }
0xc1: {  	_ =	task.clear_ibuf [dreg:s7], $0x2FFFF;
	_ =	strace $0x9FFFFFFF  }
0xc2: {  	(tm) =	ssettm $0x7FFFFFFF  }
0xc3: {  	_ =	shalt  }
tec
execute0_lowered:
.L_overlay_start_1:
0x0: {  	(tag) =	ssettag $0x1  }
0x1: {  	s0 =	stileid.u32;
	s3 =	rddreg [dreg:$0x0]  }
0x2: {  	s1 =	srdreg.scid;
	s4 =	rddreg [dreg:$0x1]  }
0x3: {  	s10 =	simm.s32 $0x2;
	s11 =	simm.s32 $0x80;
	s12 =	simm.s32 $0x400  }
0x4: {  	s13 =	simm.s32 $0x10000;
	s14 =	simm.s32 $0x3;
	s15 =	simm.s32 $0x0  }
0x5: {  	s2 =	sshll.u32 s0, $0x1;
	s5 =	sand.u32 $0x1, s1;
	s1 =	rddreg [dreg:$0x2]  }
0x6: {  	s7 =	sshrl.u32 s0, $0x2;
	s6 =	sand.u32 $0x6, s2;
	s2 =	simm.s32 $0x0  }
0x7: {  	s9 =	sshll.u32 s7, $0xB;
	s7 =	sshll.u32 s7, $0x15;
	s6 =	sor.u32 s5, s6  }
0x8: {  	[smem:$0x7FF] =	sst s2;
	s4 =	sadd.s32 s9, s4;
	s8 =	smul.u32 $0x18000, s6  }
0x9: {  	s5 =	ssub.s32 $0x2, s5;
	s9 =	simm.s32 $0x1;
	_ =	strace $0x80000047  }
0xa: {  	s31 =	sshrl.u32 s5, $0x1;
	s6 =	sshll.u32 s6, $0x4;
	s7 =	sor.u32 s8, s7  }
0xb: {  	s6 =	sadd.s32 s6, s4;
	s8 =	ssub.s32 s5, s31;
	s7 =	sadd.s32 s3, s7  }
0xc: {  	s6 =	sadd.s32 $0xA00, s6;
	s3 =	sadd.s32 $0x140000, s7;
	s4 =	sadd.s32 $0x141000, s7  }
0xd: {  	v0 =	vimm.f32 $0.0e+00;
	s5 =	sadd.s32 $0x142000, s7;
	s7 =	smax.u32 s8, $0x1;
	s8 =	simm.s32 $0x8000  }
.LBB2_1:
0xe: {  	[tilespmem:s2], [sflag:$0x1] =	stream.linear.gather [hbm4b:s3+s2], $0x8000, $0x38;
	[tilespmem:$0x10800] =	vst v63  }
0xf: {  	s16 =	simm.s32 $0x40;
	s17 =	simm.s32 $0x0  }
.LBB2_2:
0x10: {  	p0 =	sne.s32 s16, $0x1FC0;
	[tilespmem:s17+$0x10000] =	vst v0;
	s17 =	smov.u32 s16;
	s16 =	sadd.s32 $0x40, s16  }
.Ltmp0:
0x11: {  	(pc) =	sbr.rel @p0 .LBB2_2-.Ltmp0, $2  }
0x12: {  	_ =	sdelay $0x2  }
0x13: {  	s17 =	sshra.s32 s17, $0x2  }
0x14: {  	[tilespmem:s17+$0x10000] =	vst v0;
	s16 =	simm.s32 $0x0;
	s17 =	simm.s32 $0x0  }
.LBB2_4:
0x15: {  	s18 =	sshll.u32 s17, $0xD  }
0x16: {  	s19 =	sadd.s32 s18, s4  }
0x17: {  	[tilespmem:s8], [sflag:$0x2] =	stream.linear.gather [hbm4b:s19+s16], $0x8000, $0x38;
	[tilespmem:$0x10800] =	vst v63  }
0x18: {  	_ =	swait.ge [sflag:s9], $0x8000  }
0x19: {  	s31 =	sand.u32 $0x70, s16;
	s20 =	sand.u32 $0x3C00, s16;
	[sflag:s9] =	ssyncset.done $0x0  }
0x1a: {  	s19 =	sor.u32 s31, s20;
	[sflag:s9] =	ssyncadd.s32 $0xFFFF8000  }
0x1b: {  	v1 =	vld [tilespmem:s19+$0x80]  }
0x1c: {  	v2 =	vld [tilespmem:s19+$0x0]  }
0x1d: {  	v3 =	vld [tilespmem:s19+$0x100]  }
0x1e: {  	v4 =	vld [tilespmem:s19+$0x180]  }
0x1f: {  	v5 =	vld [tilespmem:s19+$0x200]  }
0x20: {  	v6 =	vld [tilespmem:s19+$0x280]  }
0x21: {  	v7 =	vld [tilespmem:s19+$0x300]  }
0x22: {  	v8 =	vld [tilespmem:s19+$0x380]  }
0x23: {  	v9 =	vld [tilespmem:s19+$0x4000]  }
0x24: {  	v10 =	vld [tilespmem:s19+$0x4080]  }
0x25: {  	v11 =	vld [tilespmem:s19+$0x4100]  }
0x26: {  	v12 =	vld [tilespmem:s19+$0x4180]  }
0x27: {  	v13 =	vld [tilespmem:s19+$0x4200]  }
0x28: {  	v14 =	vld [tilespmem:s19+$0x4280]  }
0x29: {  	v15 =	vld [tilespmem:s19+$0x4300]  }
0x2a: {  	v16 =	vld [tilespmem:s19+$0x4380];
	_ =	sdelay $0x1  }
0x2b: {  	v1 =	vadd.f32 v1, v2;
	v2 =	vadd.f32 v4, v3  }
0x2c: {  	v3 =	vadd.f32 v6, v5;
	v4 =	vadd.f32 v8, v7  }
0x2d: {  	v5 =	vadd.f32 v10, v9;
	v6 =	vadd.f32 v12, v11  }
0x2e: {  	v7 =	vadd.f32 v14, v13;
	v8 =	vadd.f32 v16, v15  }
0x2f: {  	v1 =	vadd.f32 v2, v1;
	v2 =	vadd.f32 v4, v3  }
0x30: {  	s19 =	simm.s32 $0x10000;
	v3 =	vadd.f32 v6, v5;
	v4 =	vadd.f32 v8, v7  }
0x31: {  	v5 =	vld [tilespmem:s19+$0x0]  }
0x32: {  	v1 =	vadd.f32 v2, v1;
	v2 =	vadd.f32 v4, v3;
	_ =	sdelay $0x1  }
0x33: {  	v1 =	vadd.f32 v2, v1;
	_ =	sdelay $0x1  }
0x34: {  	s21 =	simm.s32 $0x10;
	s20 =	simm.s32 $0x80;
	v1 =	vadd.f32 v1, v5  }
0x35: {  	s21 =	sand.u32 $0x70, s21;
	s22 =	sand.u32 $0x3C00, s20  }
0x36: {  	s22 =	sor.u32 s21, s22;
	[tilespmem:s19+$0x0] =	vst v1  }
0x37: {  	v1 =	vld [tilespmem:s22+$0x80]  }
0x38: {  	v2 =	vld [tilespmem:s22+$0x0]  }
0x39: {  	v3 =	vld [tilespmem:s22+$0x100]  }
0x3a: {  	v4 =	vld [tilespmem:s22+$0x180]  }
0x3b: {  	v5 =	vld [tilespmem:s22+$0x200]  }
0x3c: {  	v6 =	vld [tilespmem:s22+$0x280]  }
0x3d: {  	v7 =	vld [tilespmem:s22+$0x300]  }
0x3e: {  	v8 =	vld [tilespmem:s22+$0x380]  }
0x3f: {  	v9 =	vld [tilespmem:s22+$0x4000]  }
0x40: {  	v10 =	vld [tilespmem:s22+$0x4080]  }
0x41: {  	v11 =	vld [tilespmem:s22+$0x4100]  }
0x42: {  	v12 =	vld [tilespmem:s22+$0x4180]  }
0x43: {  	v13 =	vld [tilespmem:s22+$0x4200]  }
0x44: {  	s21 =	simm.s32 $0x20;
	v14 =	vld [tilespmem:s22+$0x4280]  }
.LBB2_5:
0x45: {  	p0 =	sne.s32 s21, $0x7F0;
	v15 =	vld [tilespmem:s22+$0x4300]  }
0x46: {  	v16 =	vld [tilespmem:s22+$0x4380];
	_ =	sdelay $0x1  }
0x47: {  	v1 =	vadd.f32 v1, v2;
	v2 =	vadd.f32 v4, v3  }
0x48: {  	v3 =	vadd.f32 v6, v5;
	v4 =	vadd.f32 v8, v7  }
0x49: {  	v5 =	vadd.f32 v10, v9;
	v6 =	vadd.f32 v12, v11  }
0x4a: {  	v7 =	vadd.f32 v14, v13;
	v8 =	vadd.f32 v16, v15  }
0x4b: {  	v1 =	vadd.f32 v2, v1;
	v2 =	vadd.f32 v4, v3  }
0x4c: {  	s19 =	sadd.s32 $0x10, s19;
	v3 =	vadd.f32 v6, v5;
	v4 =	vadd.f32 v8, v7  }
0x4d: {  	v5 =	vld [tilespmem:s19+$0x0]  }
0x4e: {  	v1 =	vadd.f32 v2, v1;
	v2 =	vadd.f32 v4, v3;
	_ =	sdelay $0x1  }
0x4f: {  	v1 =	vadd.f32 v2, v1;
	_ =	sdelay $0x1  }
0x50: {  	s20 =	sadd.s32 $0x80, s20;
	v1 =	vadd.f32 v1, v5  }
0x51: {  	s22 =	sand.u32 $0x70, s21;
	s23 =	sand.u32 $0x3C00, s20  }
0x52: {  	s22 =	sor.u32 s22, s23;
	[tilespmem:s19+$0x0] =	vst v1  }
0x53: {  	v1 =	vld [tilespmem:s22+$0x80]  }
0x54: {  	v2 =	vld [tilespmem:s22+$0x0]  }
0x55: {  	v3 =	vld [tilespmem:s22+$0x100]  }
0x56: {  	v4 =	vld [tilespmem:s22+$0x180]  }
0x57: {  	v5 =	vld [tilespmem:s22+$0x200]  }
0x58: {  	v6 =	vld [tilespmem:s22+$0x280]  }
0x59: {  	v7 =	vld [tilespmem:s22+$0x300]  }
0x5a: {  	v8 =	vld [tilespmem:s22+$0x380]  }
0x5b: {  	v9 =	vld [tilespmem:s22+$0x4000]  }
.Ltmp1:
0x5c: {  	v10 =	vld [tilespmem:s22+$0x4080];
	(pc) =	sbr.rel @p0 .LBB2_5-.Ltmp1, $4  }
0x5d: {  	v11 =	vld [tilespmem:s22+$0x4100]  }
0x5e: {  	v12 =	vld [tilespmem:s22+$0x4180]  }
0x5f: {  	v13 =	vld [tilespmem:s22+$0x4200]  }
0x60: {  	s21 =	sadd.s32 $0x10, s21;
	v14 =	vld [tilespmem:s22+$0x4280]  }
0x61: {  	v15 =	vld [tilespmem:s22+$0x4300]  }
0x62: {  	v16 =	vld [tilespmem:s22+$0x4380];
	_ =	sdelay $0x1  }
0x63: {  	v1 =	vadd.f32 v1, v2;
	v2 =	vadd.f32 v4, v3  }
0x64: {  	v3 =	vadd.f32 v6, v5;
	v4 =	vadd.f32 v8, v7  }
0x65: {  	v5 =	vadd.f32 v10, v9;
	v6 =	vadd.f32 v12, v11  }
0x66: {  	v7 =	vadd.f32 v14, v13;
	v8 =	vadd.f32 v16, v15  }
0x67: {  	v1 =	vadd.f32 v2, v1;
	v2 =	vadd.f32 v4, v3  }
0x68: {  	s19 =	sadd.s32 $0x10, s19;
	v3 =	vadd.f32 v6, v5;
	v4 =	vadd.f32 v8, v7  }
0x69: {  	v5 =	vld [tilespmem:s19+$0x0]  }
0x6a: {  	v1 =	vadd.f32 v2, v1;
	v2 =	vadd.f32 v4, v3;
	_ =	sdelay $0x1  }
0x6b: {  	v1 =	vadd.f32 v2, v1;
	_ =	sdelay $0x1  }
0x6c: {  	v1 =	vadd.f32 v1, v5  }
0x6d: {  	p0 =	seq.s32 s17, $0xB  }
0x6e: {  	s18 =	sadd.s32 @!p0 s18, s5;
	[tilespmem:s19+$0x0] =	vst v1;
	s19 =	simm.s32 @!p0 $0x0  }
0x6f: {  	[tilespmem:s19], [sflag:$0x1] =	stream.linear.gather @!p0 [hbm4b:s18+s19], $0x8000, $0x38;
	[tilespmem:$0x10800] =	vst v63  }
0x70: {  	s30 =	simm.s32 $0x0;
	_ =	swait.ge [sflag:s10], $0x8000  }
0x71: {  	s31 =	sand.u32 $0x70, s30;
	s18 =	sand.u32 $0x3C00, s30;
	[sflag:s10] =	ssyncset.done $0x0  }
0x72: {  	s18 =	sor.u32 s31, s18;
	[sflag:s10] =	ssyncadd.s32 $0xFFFF8000  }
0x73: {  	v1 =	vld [tilespmem:s18+$0x8080]  }
0x74: {  	v2 =	vld [tilespmem:s18+$0x8000]  }
0x75: {  	v3 =	vld [tilespmem:s18+$0x8100]  }
0x76: {  	v4 =	vld [tilespmem:s18+$0x8180]  }
0x77: {  	v5 =	vld [tilespmem:s18+$0x8200]  }
0x78: {  	v6 =	vld [tilespmem:s18+$0x8280]  }
0x79: {  	v7 =	vld [tilespmem:s18+$0x8300]  }
0x7a: {  	v8 =	vld [tilespmem:s18+$0x8380]  }
0x7b: {  	v9 =	vld [tilespmem:s18+$0xC000]  }
0x7c: {  	v10 =	vld [tilespmem:s18+$0xC080]  }
0x7d: {  	v11 =	vld [tilespmem:s18+$0xC100]  }
0x7e: {  	v12 =	vld [tilespmem:s18+$0xC180]  }
0x7f: {  	v13 =	vld [tilespmem:s18+$0xC200]  }
0x80: {  	v14 =	vld [tilespmem:s18+$0xC280]  }
0x81: {  	v15 =	vld [tilespmem:s18+$0xC300]  }
0x82: {  	v63 =	vld [tilespmem:s18+$0xC380];
	_ =	sdelay $0x1  }
0x83: {  	v1 =	vadd.f32 v1, v2;
	v2 =	vadd.f32 v4, v3  }
0x84: {  	v3 =	vadd.f32 v6, v5;
	v4 =	vadd.f32 v8, v7  }
0x85: {  	v5 =	vadd.f32 v10, v9;
	v6 =	vadd.f32 v12, v11  }
0x86: {  	v7 =	vadd.f32 v14, v13;
	v8 =	vadd.f32 v63, v15  }
0x87: {  	v1 =	vadd.f32 v2, v1;
	v2 =	vadd.f32 v4, v3  }
0x88: {  	s18 =	simm.s32 $0x10000;
	v3 =	vadd.f32 v6, v5;
	v4 =	vadd.f32 v8, v7  }
0x89: {  	v5 =	vld [tilespmem:s18+$0x0]  }
0x8a: {  	v1 =	vadd.f32 v2, v1;
	v2 =	vadd.f32 v4, v3;
	_ =	sdelay $0x1  }
0x8b: {  	v1 =	vadd.f32 v2, v1;
	_ =	sdelay $0x1  }
0x8c: {  	s20 =	simm.s32 $0x10;
	s19 =	simm.s32 $0x80;
	v1 =	vadd.f32 v1, v5  }
0x8d: {  	s20 =	sand.u32 $0x70, s20;
	s21 =	sand.u32 $0x3C00, s19  }
0x8e: {  	s21 =	sor.u32 s20, s21;
	[tilespmem:s18+$0x0] =	vst v1  }
0x8f: {  	v1 =	vld [tilespmem:s21+$0x8080]  }
0x90: {  	v2 =	vld [tilespmem:s21+$0x8000]  }
0x91: {  	v3 =	vld [tilespmem:s21+$0x8100]  }
0x92: {  	v4 =	vld [tilespmem:s21+$0x8180]  }
0x93: {  	v5 =	vld [tilespmem:s21+$0x8200]  }
0x94: {  	v6 =	vld [tilespmem:s21+$0x8280]  }
0x95: {  	v7 =	vld [tilespmem:s21+$0x8300]  }
0x96: {  	v8 =	vld [tilespmem:s21+$0x8380]  }
0x97: {  	v9 =	vld [tilespmem:s21+$0xC000]  }
0x98: {  	v10 =	vld [tilespmem:s21+$0xC080]  }
0x99: {  	v11 =	vld [tilespmem:s21+$0xC100]  }
0x9a: {  	v12 =	vld [tilespmem:s21+$0xC180]  }
0x9b: {  	v13 =	vld [tilespmem:s21+$0xC200]  }
0x9c: {  	s20 =	simm.s32 $0x20;
	v14 =	vld [tilespmem:s21+$0xC280]  }
.LBB2_7:
0x9d: {  	p0 =	sne.s32 s20, $0x7F0;
	v15 =	vld [tilespmem:s21+$0xC300]  }
0x9e: {  	v16 =	vld [tilespmem:s21+$0xC380];
	_ =	sdelay $0x1  }
0x9f: {  	v1 =	vadd.f32 v1, v2;
	v2 =	vadd.f32 v4, v3  }
0xa0: {  	v3 =	vadd.f32 v6, v5;
	v4 =	vadd.f32 v8, v7  }
0xa1: {  	v5 =	vadd.f32 v10, v9;
	v6 =	vadd.f32 v12, v11  }
0xa2: {  	v7 =	vadd.f32 v14, v13;
	v8 =	vadd.f32 v16, v15  }
0xa3: {  	v1 =	vadd.f32 v2, v1;
	v2 =	vadd.f32 v4, v3  }
0xa4: {  	s18 =	sadd.s32 $0x10, s18;
	v3 =	vadd.f32 v6, v5;
	v4 =	vadd.f32 v8, v7  }
0xa5: {  	v5 =	vld [tilespmem:s18+$0x0]  }
0xa6: {  	v1 =	vadd.f32 v2, v1;
	v2 =	vadd.f32 v4, v3;
	_ =	sdelay $0x1  }
0xa7: {  	v1 =	vadd.f32 v2, v1;
	_ =	sdelay $0x1  }
0xa8: {  	s19 =	sadd.s32 $0x80, s19;
	v1 =	vadd.f32 v1, v5  }
0xa9: {  	s21 =	sand.u32 $0x70, s20;
	s22 =	sand.u32 $0x3C00, s19  }
0xaa: {  	s21 =	sor.u32 s21, s22;
	[tilespmem:s18+$0x0] =	vst v1  }
0xab: {  	v1 =	vld [tilespmem:s21+$0x8080]  }
0xac: {  	v2 =	vld [tilespmem:s21+$0x8000]  }
0xad: {  	v3 =	vld [tilespmem:s21+$0x8100]  }
0xae: {  	v4 =	vld [tilespmem:s21+$0x8180]  }
0xaf: {  	v5 =	vld [tilespmem:s21+$0x8200]  }
0xb0: {  	v6 =	vld [tilespmem:s21+$0x8280]  }
0xb1: {  	v7 =	vld [tilespmem:s21+$0x8300]  }
0xb2: {  	v8 =	vld [tilespmem:s21+$0x8380]  }
0xb3: {  	v9 =	vld [tilespmem:s21+$0xC000]  }
.Ltmp2:
0xb4: {  	v10 =	vld [tilespmem:s21+$0xC080];
	(pc) =	sbr.rel @p0 .LBB2_7-.Ltmp2, $4  }
0xb5: {  	v11 =	vld [tilespmem:s21+$0xC100]  }
0xb6: {  	v12 =	vld [tilespmem:s21+$0xC180]  }
0xb7: {  	v13 =	vld [tilespmem:s21+$0xC200]  }
0xb8: {  	s20 =	sadd.s32 $0x10, s20;
	v14 =	vld [tilespmem:s21+$0xC280]  }
0xb9: {  	v15 =	vld [tilespmem:s21+$0xC300]  }
0xba: {  	v16 =	vld [tilespmem:s21+$0xC380];
	_ =	sdelay $0x1  }
0xbb: {  	v1 =	vadd.f32 v1, v2;
	v2 =	vadd.f32 v4, v3  }
0xbc: {  	v3 =	vadd.f32 v6, v5;
	v57 =	vadd.f32 v8, v7  }
0xbd: {  	v58 =	vadd.f32 v10, v9;
	v59 =	vadd.f32 v12, v11  }
0xbe: {  	v60 =	vadd.f32 v14, v13;
	v61 =	vadd.f32 v16, v15  }
0xbf: {  	v1 =	vadd.f32 v2, v1;
	v2 =	vadd.f32 v57, v3  }
0xc0: {  	s18 =	sadd.s32 $0x10, s18;
	v3 =	vadd.f32 v59, v58;
	v62 =	vadd.f32 v61, v60  }
0xc1: {  	v63 =	vld [tilespmem:s18+$0x0]  }
0xc2: {  	s17 =	sadd.s32 $0x1, s17;
	v1 =	vadd.f32 v2, v1;
	v2 =	vadd.f32 v62, v3  }
0xc3: {  	p0 =	sne.s32 s17, $0xC  }
.Ltmp3:
0xc4: {  	v1 =	vadd.f32 v2, v1;
	(pc) =	sbr.rel @p0 .LBB2_4-.Ltmp3, $3  }
0xc5: {  	_ = 	snop  }
0xc6: {  	v1 =	vadd.f32 v1, v63;
	_ =	sdelay $0x1  }
0xc7: {  	[tilespmem:s18+$0x0] =	vst v1  }
0xc8: {  	s15 =	sadd.s32 $0x1, s15  }
0xc9: {  	p0 =	sne.s32 s15, s7  }
.Ltmp4:
0xca: {  	_ = 	snop;
	(pc) =	sbr.rel @p0 .LBB2_1-.Ltmp4, $4  }
0xcb: {  	[hbm4b:s6+s11] =	stream.strided.scatter [tilespmem:s13], [sflag:$0x3], $0x800, s12, s11, $0x38;
	[tilespmem:$0x10800] =	vst v63  }
0xcc: {  	_ =	swait.ge [sflag:s14], $0x800  }
0xcd: {  	[sflag:s14] =	ssyncset.done $0x0  }
0xce: {  	[sflag:s14] =	ssyncadd.s32 $0xFFFFF800  }
0xcf: {  	_ =	sfence.sel $0x180000  }
0xd0: {  	[bflag:$0x0] =	sbarrier.arrive $0xFFFF  }
0xd1: {  	p0 =	sne.s32 s0, $0x0;
	_ =	strace $0x90000047  }
0xd2: {  	s0 =	sadd.s32 @!p0 $0x100000, s1;
	[bflag:$0x2] =	sbarrier.arrive $0xFFFF  }
0xd3: {  	[sflag:s0] =	ssyncadd.tile.s32 @!p0 $0x1;
	_ =	shalt  }
.Lfunc_end2:
_tile_overlayer_lowered:
.L_overlay_start_2:
0xd4: {  	(tag) =	ssettag $0x2  }
0xd5: {  	s0 =	rddreg [dreg:$0x0];
	s2 =	stileid.u32  }
0xd6: {  	s1 =	rddreg [dreg:$0x1];
	p0 =	sne.s32 s2, $0x0  }
0xd7: {  	s3 =	rddreg [dreg:$0x2];
	[bflag:$0x3] =	sbarrier.arrive $0xFFFF;
	s2 =	simm.s32 @!p0 $0x1C03  }
0xd8: {  	[timem:s3], [sflag:s2] =	dma.local @!p0 [hbm:s0], s1  }
0xd9: {  	s0 =	simm.s32 @!p0 $0x3  }
0xda: {  	_ =	swait.ge @!p0 [sflag:s0], s1  }
0xdb: {  	s1 =	ssub.s32 @!p0 $0x0, s1;
	[sflag:s0] =	ssyncset.done @!p0 $0x0  }
0xdc: {  	[sflag:s0] =	ssyncadd.s32 @!p0 s1  }
0xdd: {  	[bflag:$0x3] =	sbarrier.arrive $0xFFFF  }
0xde: {  	_ =	shalt  }

</sc_bundles>
